<compile_context>
chip_gen: v7x
topology: tpu7x:2x2x1
jax: 0.10.2.dev20260603
libtpu: 0.0.44.dev20260713+nightly
codegen_flags: <defaults>
</compile_context>

<pallas_src>
import functools

import jax
import jax.numpy as jnp
from jax import lax
from jax.experimental import pallas as pl
from jax.experimental.pallas import tpu as pltpu
from jax.experimental.pallas import tpu_sc as plsc

N_NODES = 10000
N_EDGES = 320000
NC = 2
NS = 16
NW = NC * NS
B_E = 64
K_CH = 158
K2 = 314
E_W = K_CH * B_E
N_ACC = 10112
RPT = N_ACC // NS
DEG_W = 8


def _sc_conv_call(table, row3, col3, zeros, stage_table=False):
    D = table.shape[1]
    mesh = plsc.VectorSubcoreMesh(
        core_axis_name="c", subcore_axis_name="s", num_cores=NC, num_subcores=NS
    )
    scratch = [
        pltpu.VMEM((K_CH, B_E), jnp.int32),
        pltpu.VMEM((K_CH, B_E), jnp.int32),
        pltpu.VMEM((B_E, D), jnp.float32),
        pltpu.VMEM((B_E, D), jnp.float32),
        pltpu.SemaphoreType.DMA,
        pltpu.SemaphoreType.DMA,
        pltpu.VMEM_SHARED((N_ACC, D), jnp.float32),
    ]
    if stage_table:
        scratch.append(pltpu.VMEM_SHARED((N_ACC, D), jnp.float32))

    @functools.partial(
        pl.kernel,
        out_type=jax.ShapeDtypeStruct((NC, N_ACC, D), jnp.float32),
        mesh=mesh,
        scratch_types=scratch,
        compiler_params=pltpu.CompilerParams(use_tc_tiling_on_sc=False),
    )
    def conv(table_h, row_h, col_h, zeros_h, out_h, rowv, colv, buf0, buf1,
             sem0, sem1, acc, *maybe_tab):
        c = lax.axis_index("c")
        s = lax.axis_index("s")
        w = c * NS + s
        pltpu.sync_copy(zeros_h.at[pl.ds(s * RPT, RPT)], acc.at[pl.ds(s * RPT, RPT)])
        if stage_table:
            table_src = maybe_tab[0]
            pltpu.sync_copy(
                table_h.at[pl.ds(s * RPT, RPT)], table_src.at[pl.ds(s * RPT, RPT)]
            )
        else:
            table_src = table_h
        pltpu.sync_copy(row_h.at[w], rowv)
        pltpu.sync_copy(col_h.at[w], colv)
        plsc.subcore_barrier()

        pltpu.async_copy(table_src.at[rowv.at[0]], buf0, sem0)

        def body(jj, carry):
            j0 = 2 * jj
            pltpu.async_copy(table_src.at[rowv.at[j0 + 1]], buf1, sem1)
            pltpu.make_async_copy(table_src.at[rowv.at[j0]], buf0, sem0).wait()
            pltpu.sync_copy(buf0, acc.at[colv.at[j0]], add=True)
            pltpu.async_copy(table_src.at[rowv.at[j0 + 2]], buf0, sem0)
            pltpu.make_async_copy(table_src.at[rowv.at[j0 + 1]], buf1, sem1).wait()
            pltpu.sync_copy(buf1, acc.at[colv.at[j0 + 1]], add=True)
            return carry

        lax.fori_loop(0, (K_CH - 2) // 2, body, 0)
        pltpu.async_copy(table_src.at[rowv.at[K_CH - 1]], buf1, sem1)
        pltpu.make_async_copy(table_src.at[rowv.at[K_CH - 2]], buf0, sem0).wait()
        pltpu.sync_copy(buf0, acc.at[colv.at[K_CH - 2]], add=True)
        pltpu.make_async_copy(table_src.at[rowv.at[K_CH - 1]], buf1, sem1).wait()
        pltpu.sync_copy(buf1, acc.at[colv.at[K_CH - 1]], add=True)

        plsc.subcore_barrier()
        pltpu.sync_copy(
            acc.at[pl.ds(s * RPT, RPT)], out_h.at[c, pl.ds(s * RPT, RPT)]
        )

    return conv(table, row3, col3, zeros)


def _sc_conv128_call(table, row2, col2, zeros):
    DH = 64
    mesh = plsc.VectorSubcoreMesh(
        core_axis_name="c", subcore_axis_name="s", num_cores=NC, num_subcores=NS
    )

    @functools.partial(
        pl.kernel,
        out_type=jax.ShapeDtypeStruct((2, N_ACC, DH), jnp.float32),
        mesh=mesh,
        scratch_types=[
            pltpu.VMEM((K2, B_E), jnp.int32),
            pltpu.VMEM((K2, B_E), jnp.int32),
            pltpu.VMEM((B_E, DH), jnp.float32),
            pltpu.VMEM((B_E, DH), jnp.float32),
            pltpu.SemaphoreType.DMA,
            pltpu.SemaphoreType.DMA,
            pltpu.VMEM_SHARED((N_ACC, DH), jnp.float32),
            pltpu.VMEM_SHARED((N_ACC, DH), jnp.float32),
        ],
        compiler_params=pltpu.CompilerParams(use_tc_tiling_on_sc=False),
    )
    def conv(table_h, row_h, col_h, zeros_h, out_h, rowv, colv, buf0, buf1,
             sem0, sem1, acc, tab):
        c = lax.axis_index("c")
        s = lax.axis_index("s")
        pltpu.sync_copy(row_h.at[s], rowv)
        pltpu.sync_copy(col_h.at[s], colv)
        pltpu.sync_copy(zeros_h.at[pl.ds(s * RPT, RPT)], acc.at[pl.ds(s * RPT, RPT)])
        pltpu.sync_copy(
            table_h.at[pl.ds(s * RPT, RPT), pl.ds(c * DH, DH)],
            tab.at[pl.ds(s * RPT, RPT)],
        )
        plsc.subcore_barrier()

        pltpu.async_copy(tab.at[rowv.at[0]], buf0, sem0)

        def body(jj, carry):
            j0 = 2 * jj
            pltpu.async_copy(tab.at[rowv.at[j0 + 1]], buf1, sem1)
            pltpu.make_async_copy(tab.at[rowv.at[j0]], buf0, sem0).wait()
            pltpu.sync_copy(buf0, acc.at[colv.at[j0]], add=True)
            pltpu.async_copy(tab.at[rowv.at[j0 + 2]], buf0, sem0)
            pltpu.make_async_copy(tab.at[rowv.at[j0 + 1]], buf1, sem1).wait()
            pltpu.sync_copy(buf1, acc.at[colv.at[j0 + 1]], add=True)
            return carry

        lax.fori_loop(0, (K2 - 2) // 2, body, 0)
        pltpu.async_copy(tab.at[rowv.at[K2 - 1]], buf1, sem1)
        pltpu.make_async_copy(tab.at[rowv.at[K2 - 2]], buf0, sem0).wait()
        pltpu.sync_copy(buf0, acc.at[colv.at[K2 - 2]], add=True)
        pltpu.make_async_copy(tab.at[rowv.at[K2 - 1]], buf1, sem1).wait()
        pltpu.sync_copy(buf1, acc.at[colv.at[K2 - 1]], add=True)

        plsc.subcore_barrier()
        pltpu.sync_copy(
            acc.at[pl.ds(s * RPT, RPT)], out_h.at[c, pl.ds(s * RPT, RPT)]
        )

    return conv(table, row2, col2, zeros)


B_D = 128
K_D = K_CH // 2


def _sc_deg_call(ones_blk, col3d, zeros):
    mesh = plsc.VectorSubcoreMesh(
        core_axis_name="c", subcore_axis_name="s", num_cores=NC, num_subcores=NS
    )

    @functools.partial(
        pl.kernel,
        out_type=jax.ShapeDtypeStruct((NC, N_ACC, DEG_W), jnp.float32),
        mesh=mesh,
        scratch_types=[
            pltpu.VMEM((K_D, B_D), jnp.int32),
            pltpu.VMEM((B_D, DEG_W), jnp.float32),
            pltpu.VMEM_SHARED((N_ACC, DEG_W), jnp.float32),
        ],
        compiler_params=pltpu.CompilerParams(use_tc_tiling_on_sc=False),
    )
    def degk(ones_h, col_h, zeros_h, out_h, colv, onesv, acc):
        c = lax.axis_index("c")
        s = lax.axis_index("s")
        w = c * NS + s
        pltpu.sync_copy(zeros_h.at[pl.ds(s * RPT, RPT)], acc.at[pl.ds(s * RPT, RPT)])
        pltpu.sync_copy(col_h.at[w], colv)
        pltpu.sync_copy(ones_h, onesv)
        plsc.subcore_barrier()

        def body(j, carry):
            pltpu.sync_copy(onesv, acc.at[colv.at[j]], add=True)
            return carry

        lax.fori_loop(0, K_D, body, 0)
        plsc.subcore_barrier()
        pltpu.sync_copy(
            acc.at[pl.ds(s * RPT, RPT)], out_h.at[c, pl.ds(s * RPT, RPT)]
        )

    return degk(ones_blk, col3d, zeros)


def _dis_from(d_ref):
    deg = d_ref[0, :, :, 0:1].sum(axis=0)
    return jnp.where(deg > 0.0, lax.rsqrt(deg), 0.0)


def _mm0_body(x_ref, w_ref, o_ref):
    o_ref[...] = jnp.dot(x_ref[...], w_ref[...], preferred_element_type=jnp.float32)


def _scale_body(h_ref, d_ref, o_ref):
    o_ref[...] = h_ref[...] * _dis_from(d_ref)


def _mm2_body(pa_ref, pb_ref, d_ref, wa_ref, wb_ref, o_ref):
    dis = _dis_from(d_ref)
    out1a = pa_ref[0] * dis
    out1b = pb_ref[0] * dis
    h2 = jnp.dot(out1a, wa_ref[...], preferred_element_type=jnp.float32)
    h2 += jnp.dot(out1b, wb_ref[...], preferred_element_type=jnp.float32)
    o_ref[...] = h2 * dis


def _fin_body(q_ref, d_ref, o_ref):
    dis = _dis_from(d_ref)
    a = ((q_ref[0] + q_ref[1]) * dis)[:, :40]
    m = jnp.max(a, axis=1, keepdims=True)
    e = jnp.exp(a - m)
    lse = jnp.log(jnp.sum(e, axis=1, keepdims=True))
    o_ref[...] = a - m - lse


_R = 632
_G = N_ACC // _R


@jax.jit
def kernel(x, edge_index, W1, W2):
    f32 = jnp.float32
    row = edge_index[0]
    col = edge_index[1]
    pad = NW * E_W - N_EDGES
    row_p = jnp.concatenate([row, jnp.zeros((pad,), jnp.int32)])
    col_p = jnp.concatenate([col, jnp.full((pad,), N_NODES, jnp.int32)])
    row3 = row_p.reshape(NW, K_CH, B_E)
    col3 = col_p.reshape(NW, K_CH, B_E)
    pad2 = NS * K2 * B_E - N_EDGES
    row2 = jnp.concatenate([row, jnp.zeros((pad2,), jnp.int32)]).reshape(NS, K2, B_E)
    col2 = jnp.concatenate([col, jnp.full((pad2,), N_NODES, jnp.int32)]).reshape(
        NS, K2, B_E
    )

    zeros64 = jnp.zeros((N_ACC, 64), f32)
    zeros48 = jnp.zeros((N_ACC, 48), f32)
    zeros16 = jnp.zeros((N_ACC, DEG_W), f32)
    ones_blk = jnp.ones((B_D, DEG_W), f32)

    h1 = pl.pallas_call(
        _mm0_body,
        grid=(_G,),
        in_specs=[
            pl.BlockSpec((_R, 128), lambda i: (i, 0)),
            pl.BlockSpec((128, 128), lambda i: (0, 0)),
        ],
        out_specs=pl.BlockSpec((_R, 128), lambda i: (i, 0)),
        out_shape=jax.ShapeDtypeStruct((N_NODES, 128), f32),
    )(x, W1)
    deg_parts = _sc_deg_call(
        ones_blk, col3.reshape(NW, K_D, B_D), zeros16
    )

    h1p = pl.pallas_call(
        _scale_body,
        grid=(_G,),
        in_specs=[
            pl.BlockSpec((_R, 128), lambda i: (i, 0)),
            pl.BlockSpec((1, 2, _R, DEG_W), lambda i: (0, 0, i, 0)),
        ],
        out_specs=pl.BlockSpec((_R, 128), lambda i: (i, 0)),
        out_shape=jax.ShapeDtypeStruct((N_ACC, 128), f32),
    )(h1, deg_parts[None])

    phalves = _sc_conv128_call(h1p, row2, col2, zeros64)

    W2p = jnp.pad(W2, ((0, 0), (0, 8)))
    h2p = pl.pallas_call(
        _mm2_body,
        grid=(_G,),
        in_specs=[
            pl.BlockSpec((1, _R, 64), lambda i: (0, i, 0)),
            pl.BlockSpec((1, _R, 64), lambda i: (1, i, 0)),
            pl.BlockSpec((1, 2, _R, DEG_W), lambda i: (0, 0, i, 0)),
            pl.BlockSpec((64, 48), lambda i: (0, 0)),
            pl.BlockSpec((64, 48), lambda i: (0, 0)),
        ],
        out_specs=pl.BlockSpec((_R, 48), lambda i: (i, 0)),
        out_shape=jax.ShapeDtypeStruct((N_ACC, 48), f32),
    )(phalves, phalves, deg_parts[None], W2p[:64], W2p[64:])

    q = _sc_conv_call(h2p, row3, col3, zeros48, stage_table=True)

    out = pl.pallas_call(
        _fin_body,
        grid=(_G,),
        in_specs=[
            pl.BlockSpec((2, _R, 48), lambda i: (0, i, 0)),
            pl.BlockSpec((1, 2, _R, DEG_W), lambda i: (0, 0, i, 0)),
        ],
        out_specs=pl.BlockSpec((_R, 40), lambda i: (i, 0)),
        out_shape=jax.ShapeDtypeStruct((N_NODES, 40), f32),
    )(q, deg_parts[None])
    return out

# --- scband reference (transcript-rebuilt; emitter-appended) ---
"""Pipeline reference for scband-gnnlinear-35210141892662 (READ-ONLY COPY).

The authoritative reference and input builder live on the scoring server;
editing this copy changes nothing except your own understanding.
"""

import jax, jax.numpy as jnp
import numpy as np

N = 10000
E = 320000
F_IN = 128
HID = 128
C = 40


def setup_inputs(seed: int = 0) -> dict:
    key = jax.random.key(seed)
    k1, k2, k3, k4 = jax.random.split(key, 4)
    x = jax.random.normal(k1, (N, F_IN), dtype=jnp.float32)
    edge_index = jax.random.randint(k2, (2, E), 0, N, dtype=jnp.int32)
    # Glorot-initialized weights for the two GCN layers (bias=False)
    W1 = jax.random.normal(k3, (F_IN, HID), dtype=jnp.float32) * np.sqrt(2.0 / (F_IN + HID))
    W2 = jax.random.normal(k4, (HID, C), dtype=jnp.float32) * np.sqrt(2.0 / (HID + C))
    return {"x": x, "edge_index": edge_index, "W1": W1, "W2": W2}


def _gcn_conv(x, edge_index, W):
    # GCNConv with add_self_loops=False, bias=False, edge_weight=1
    h = x @ W
    row = edge_index[0]
    col = edge_index[1]
    num_nodes = x.shape[0]
    ones = jnp.ones((edge_index.shape[1],), dtype=h.dtype)
    deg = jax.ops.segment_sum(ones, col, num_segments=num_nodes)
    deg_inv_sqrt = jnp.where(deg > 0, 1.0 / jnp.sqrt(deg), 0.0)
    norm = deg_inv_sqrt[row] * deg_inv_sqrt[col]
    msg = h[row] * norm[:, None]
    out = jax.ops.segment_sum(msg, col, num_segments=num_nodes)
    return out


def reference(x, edge_index, W1, W2):
    h = _gcn_conv(x, edge_index, W1)
    h = _gcn_conv(h, edge_index, W2)
    return jax.nn.log_softmax(h, axis=1)

if __name__ == "__main__":
    import jax
    _d = setup_inputs()
    print(jax.jit(kernel)(*tuple(_d.values())))

</pallas_src>

<mosaic_0001>
#map = affine_map<(d0, d1) -> (0, 0)>
#map1 = affine_map<(d0, d1) -> (0, 0, 0)>
module attributes {stable_mosaic.version = 14 : i64} {
  func.func @conv(%arg0: i32, %arg1: i32, %arg2: memref<10112x48xf32, #tpu.memory_space<hbm>>, %arg3: memref<32x158x64xi32, #tpu.memory_space<hbm>>, %arg4: memref<32x158x64xi32, #tpu.memory_space<hbm>>, %arg5: memref<10112x48xf32, #tpu.memory_space<hbm>>, %arg6: memref<2x10112x48xf32, #tpu.memory_space<hbm>>, %arg7: memref<158x64xi32, #tpu.memory_space<vmem>>, %arg8: memref<158x64xi32, #tpu.memory_space<vmem>>, %arg9: memref<64x48xf32, #tpu.memory_space<vmem>>, %arg10: memref<64x48xf32, #tpu.memory_space<vmem>>, %arg11: memref<!tpu.dma_semaphore, #tpu.memory_space<semaphore_mem>>, %arg12: memref<!tpu.dma_semaphore, #tpu.memory_space<semaphore_mem>>, %arg13: memref<10112x48xf32, #tpu.memory_space<vmem_shared>>, %arg14: memref<10112x48xf32, #tpu.memory_space<vmem_shared>>) attributes {dimension_semantics = [#tpu.dimension_semantics<core_parallel>, #tpu.dimension_semantics<subcore_parallel>], iteration_bounds = array<i64: 2, 16>, scalar_prefetch = 0 : i64, scratch_operands = 8 : i64, tpu.core_type = #tpu.core_type<sc_vector_subcore>, window_params = [{transform_indices = #map}, {transform_indices = #map1}, {transform_indices = #map1}, {transform_indices = #map}, {transform_indices = #map1}]} {
    %mul3A = arith.constant 16 : i32
    %mul3A_0 = arith.muli %arg0, %mul3A : i32
    %add3A = arith.addi %mul3A_0, %arg1 : i32
    %mul3A_1 = arith.constant 632 : i32
    %mul3A_2 = arith.muli %arg1, %mul3A_1 : i32
    %mul3A_3 = arith.constant 632 : i32
    %mul3A_4 = arith.muli %arg1, %mul3A_3 : i32
    "tpu.region"() ({
      %run_scoped3A_46 = tpu.sem_alloc : memref<!tpu.dma_semaphore, #tpu.memory_space<semaphore_mem>>
      %dma_start3A_47 = arith.constant 0 : i32
      %dma_start3A_48 = tpu.memref_slice %arg13[%mul3A_4, %dma_start3A_47] : memref<10112x48xf32, #tpu.memory_space<vmem_shared>> -> memref<632x48xf32, #tpu.memory_space<vmem_shared>>
      %dma_start3A_49 = arith.constant 0 : i32
      %dma_start3A_50 = tpu.memref_slice %arg5[%mul3A_2, %dma_start3A_49] : memref<10112x48xf32, #tpu.memory_space<hbm>> -> memref<632x48xf32, #tpu.memory_space<hbm>>
      tpu.enqueue_dma source(%dma_start3A_50 : memref<632x48xf32, #tpu.memory_space<hbm>>) target(%dma_start3A_48 : memref<632x48xf32, #tpu.memory_space<vmem_shared>>) target_semaphore(%run_scoped3A_46 : memref<!tpu.dma_semaphore, #tpu.memory_space<semaphore_mem>>)
      %dma_wait3A_51 = arith.constant 0 : i32
      %dma_wait3A_52 = tpu.memref_slice %arg13[%mul3A_4, %dma_wait3A_51] : memref<10112x48xf32, #tpu.memory_space<vmem_shared>> -> memref<632x48xf32, #tpu.memory_space<vmem_shared>>
      %dma_wait3A_53 = arith.constant 0 : i32
      %dma_wait3A_54 = tpu.memref_slice %arg5[%mul3A_2, %dma_wait3A_53] : memref<10112x48xf32, #tpu.memory_space<hbm>> -> memref<632x48xf32, #tpu.memory_space<hbm>>
      tpu.wait_dma2 semaphore(%run_scoped3A_46 : memref<!tpu.dma_semaphore, #tpu.memory_space<semaphore_mem>>) src(%dma_wait3A_54 : memref<632x48xf32, #tpu.memory_space<hbm>>) dst(%dma_wait3A_52 : memref<632x48xf32, #tpu.memory_space<vmem_shared>>)
      tpu.yield
    }) : () -> ()
    %mul3A_5 = arith.constant 632 : i32
    %mul3A_6 = arith.muli %arg1, %mul3A_5 : i32
    %mul3A_7 = arith.constant 632 : i32
    %mul3A_8 = arith.muli %arg1, %mul3A_7 : i32
    "tpu.region"() ({
      %run_scoped3A_46 = tpu.sem_alloc : memref<!tpu.dma_semaphore, #tpu.memory_space<semaphore_mem>>
      %dma_start3A_47 = arith.constant 0 : i32
      %dma_start3A_48 = tpu.memref_slice %arg14[%mul3A_8, %dma_start3A_47] : memref<10112x48xf32, #tpu.memory_space<vmem_shared>> -> memref<632x48xf32, #tpu.memory_space<vmem_shared>>
      %dma_start3A_49 = arith.constant 0 : i32
      %dma_start3A_50 = tpu.memref_slice %arg2[%mul3A_6, %dma_start3A_49] : memref<10112x48xf32, #tpu.memory_space<hbm>> -> memref<632x48xf32, #tpu.memory_space<hbm>>
      tpu.enqueue_dma source(%dma_start3A_50 : memref<632x48xf32, #tpu.memory_space<hbm>>) target(%dma_start3A_48 : memref<632x48xf32, #tpu.memory_space<vmem_shared>>) target_semaphore(%run_scoped3A_46 : memref<!tpu.dma_semaphore, #tpu.memory_space<semaphore_mem>>)
      %dma_wait3A_51 = arith.constant 0 : i32
      %dma_wait3A_52 = tpu.memref_slice %arg14[%mul3A_8, %dma_wait3A_51] : memref<10112x48xf32, #tpu.memory_space<vmem_shared>> -> memref<632x48xf32, #tpu.memory_space<vmem_shared>>
      %dma_wait3A_53 = arith.constant 0 : i32
      %dma_wait3A_54 = tpu.memref_slice %arg2[%mul3A_6, %dma_wait3A_53] : memref<10112x48xf32, #tpu.memory_space<hbm>> -> memref<632x48xf32, #tpu.memory_space<hbm>>
      tpu.wait_dma2 semaphore(%run_scoped3A_46 : memref<!tpu.dma_semaphore, #tpu.memory_space<semaphore_mem>>) src(%dma_wait3A_54 : memref<632x48xf32, #tpu.memory_space<hbm>>) dst(%dma_wait3A_52 : memref<632x48xf32, #tpu.memory_space<vmem_shared>>)
      tpu.yield
    }) : () -> ()
    "tpu.region"() ({
      %run_scoped3A_46 = tpu.sem_alloc : memref<!tpu.dma_semaphore, #tpu.memory_space<semaphore_mem>>
      %dma_start3A_47 = arith.constant 0 : i32
      %dma_start3A_48 = arith.constant 0 : i32
      %dma_start3A_49 = tpu.memref_slice %arg3[%add3A, %dma_start3A_47, %dma_start3A_48] : memref<32x158x64xi32, #tpu.memory_space<hbm>> -> memref<1x158x64xi32, #tpu.memory_space<hbm>>
      %dma_start3A_50 = tpu.memref_squeeze %dma_start3A_49 : memref<1x158x64xi32, #tpu.memory_space<hbm>> -> memref<158x64xi32, #tpu.memory_space<hbm>>
      %dma_start3A_51 = arith.constant 0 : i32
      %dma_start3A_52 = arith.constant 0 : i32
      %dma_start3A_53 = tpu.memref_slice %arg3[%add3A, %dma_start3A_51, %dma_start3A_52] : memref<32x158x64xi32, #tpu.memory_space<hbm>> -> memref<1x158x64xi32, #tpu.memory_space<hbm>>
      %dma_start3A_54 = tpu.memref_squeeze %dma_start3A_53 : memref<1x158x64xi32, #tpu.memory_space<hbm>> -> memref<158x64xi32, #tpu.memory_space<hbm>>
      tpu.enqueue_dma source(%dma_start3A_54 : memref<158x64xi32, #tpu.memory_space<hbm>>) target(%arg7 : memref<158x64xi32, #tpu.memory_space<vmem>>) target_semaphore(%run_scoped3A_46 : memref<!tpu.dma_semaphore, #tpu.memory_space<semaphore_mem>>)
      %dma_wait3A_55 = arith.constant 0 : i32
      %dma_wait3A_56 = arith.constant 0 : i32
      %dma_wait3A_57 = tpu.memref_slice %arg3[%add3A, %dma_wait3A_55, %dma_wait3A_56] : memref<32x158x64xi32, #tpu.memory_space<hbm>> -> memref<1x158x64xi32, #tpu.memory_space<hbm>>
      %dma_wait3A_58 = tpu.memref_squeeze %dma_wait3A_57 : memref<1x158x64xi32, #tpu.memory_space<hbm>> -> memref<158x64xi32, #tpu.memory_space<hbm>>
      %dma_wait3A_59 = arith.constant 0 : i32
      %dma_wait3A_60 = arith.constant 0 : i32
      %dma_wait3A_61 = tpu.memref_slice %arg3[%add3A, %dma_wait3A_59, %dma_wait3A_60] : memref<32x158x64xi32, #tpu.memory_space<hbm>> -> memref<1x158x64xi32, #tpu.memory_space<hbm>>
      %dma_wait3A_62 = tpu.memref_squeeze %dma_wait3A_61 : memref<1x158x64xi32, #tpu.memory_space<hbm>> -> memref<158x64xi32, #tpu.memory_space<hbm>>
      tpu.wait_dma2 semaphore(%run_scoped3A_46 : memref<!tpu.dma_semaphore, #tpu.memory_space<semaphore_mem>>) src(%dma_wait3A_62 : memref<158x64xi32, #tpu.memory_space<hbm>>) dst(%arg7 : memref<158x64xi32, #tpu.memory_space<vmem>>)
      tpu.yield
    }) : () -> ()
    "tpu.region"() ({
      %run_scoped3A_46 = tpu.sem_alloc : memref<!tpu.dma_semaphore, #tpu.memory_space<semaphore_mem>>
      %dma_start3A_47 = arith.constant 0 : i32
      %dma_start3A_48 = arith.constant 0 : i32
      %dma_start3A_49 = tpu.memref_slice %arg4[%add3A, %dma_start3A_47, %dma_start3A_48] : memref<32x158x64xi32, #tpu.memory_space<hbm>> -> memref<1x158x64xi32, #tpu.memory_space<hbm>>
      %dma_start3A_50 = tpu.memref_squeeze %dma_start3A_49 : memref<1x158x64xi32, #tpu.memory_space<hbm>> -> memref<158x64xi32, #tpu.memory_space<hbm>>
      %dma_start3A_51 = arith.constant 0 : i32
      %dma_start3A_52 = arith.constant 0 : i32
      %dma_start3A_53 = tpu.memref_slice %arg4[%add3A, %dma_start3A_51, %dma_start3A_52] : memref<32x158x64xi32, #tpu.memory_space<hbm>> -> memref<1x158x64xi32, #tpu.memory_space<hbm>>
      %dma_start3A_54 = tpu.memref_squeeze %dma_start3A_53 : memref<1x158x64xi32, #tpu.memory_space<hbm>> -> memref<158x64xi32, #tpu.memory_space<hbm>>
      tpu.enqueue_dma source(%dma_start3A_54 : memref<158x64xi32, #tpu.memory_space<hbm>>) target(%arg8 : memref<158x64xi32, #tpu.memory_space<vmem>>) target_semaphore(%run_scoped3A_46 : memref<!tpu.dma_semaphore, #tpu.memory_space<semaphore_mem>>)
      %dma_wait3A_55 = arith.constant 0 : i32
      %dma_wait3A_56 = arith.constant 0 : i32
      %dma_wait3A_57 = tpu.memref_slice %arg4[%add3A, %dma_wait3A_55, %dma_wait3A_56] : memref<32x158x64xi32, #tpu.memory_space<hbm>> -> memref<1x158x64xi32, #tpu.memory_space<hbm>>
      %dma_wait3A_58 = tpu.memref_squeeze %dma_wait3A_57 : memref<1x158x64xi32, #tpu.memory_space<hbm>> -> memref<158x64xi32, #tpu.memory_space<hbm>>
      %dma_wait3A_59 = arith.constant 0 : i32
      %dma_wait3A_60 = arith.constant 0 : i32
      %dma_wait3A_61 = tpu.memref_slice %arg4[%add3A, %dma_wait3A_59, %dma_wait3A_60] : memref<32x158x64xi32, #tpu.memory_space<hbm>> -> memref<1x158x64xi32, #tpu.memory_space<hbm>>
      %dma_wait3A_62 = tpu.memref_squeeze %dma_wait3A_61 : memref<1x158x64xi32, #tpu.memory_space<hbm>> -> memref<158x64xi32, #tpu.memory_space<hbm>>
      tpu.wait_dma2 semaphore(%run_scoped3A_46 : memref<!tpu.dma_semaphore, #tpu.memory_space<semaphore_mem>>) src(%dma_wait3A_62 : memref<158x64xi32, #tpu.memory_space<hbm>>) dst(%arg8 : memref<158x64xi32, #tpu.memory_space<vmem>>)
      tpu.yield
    }) : () -> ()
    %barrier3A = arith.constant 0 : index
    tpu.barrier barrier_id(%barrier3A)
    %dma_start3A = arith.constant 0 : i32
    %dma_start3A_9 = arith.constant 0 : i32
    %dma_start3A_10 = tpu.memref_slice %arg7[%dma_start3A, %dma_start3A_9] : memref<158x64xi32, #tpu.memory_space<vmem>> -> memref<1x64xi32, #tpu.memory_space<vmem>>
    %dma_start3A_11 = tpu.memref_squeeze %dma_start3A_10 : memref<1x64xi32, #tpu.memory_space<vmem>> -> memref<64xi32, #tpu.memory_space<vmem>>
    %dma_start3A_12 = arith.constant 0 : i32
    %dma_start3A_13 = arith.constant 0 : i32
    %dma_start3A_14 = tpu.memref_slice %arg14[%dma_start3A_12, %dma_start3A_13] : memref<10112x48xf32, #tpu.memory_space<vmem_shared>> -> memref<10112x48xf32, #tpu.memory_space<vmem_shared>>
    tpu.enqueue_indirect_dma source(%dma_start3A_14 : memref<10112x48xf32, #tpu.memory_space<vmem_shared>>) target(%arg9 : memref<64x48xf32, #tpu.memory_space<vmem>>) offsets(%dma_start3A_11 : memref<64xi32, #tpu.memory_space<vmem>>) semaphore(%arg11 : memref<!tpu.dma_semaphore, #tpu.memory_space<semaphore_mem>>)
    %scan3A = arith.constant 0 : i32
    %scan3A_15 = arith.constant 0 : i32
    %scan3A_16 = arith.constant 78 : i32
    %scan3A_17 = arith.addi %scan3A_15, %scan3A_16 : i32
    %scan3A_18 = arith.constant 1 : i32
    scf.for %scan3A_46 = %scan3A_15 to %scan3A_17 step %scan3A_18  : i32 {
      %mul3A_47 = arith.constant 2 : i32
      %mul3A_48 = arith.muli %mul3A_47, %scan3A_46 : i32
      %add3A_49 = arith.constant 1 : i32
      %add3A_50 = arith.addi %mul3A_48, %add3A_49 : i32
      %dma_start3A_51 = arith.constant 0 : i32
      %dma_start3A_52 = tpu.memref_slice %arg7[%add3A_50, %dma_start3A_51] : memref<158x64xi32, #tpu.memory_space<vmem>> -> memref<1x64xi32, #tpu.memory_space<vmem>>
      %dma_start3A_53 = tpu.memref_squeeze %dma_start3A_52 : memref<1x64xi32, #tpu.memory_space<vmem>> -> memref<64xi32, #tpu.memory_space<vmem>>
      %dma_start3A_54 = arith.constant 0 : i32
      %dma_start3A_55 = arith.constant 0 : i32
      %dma_start3A_56 = tpu.memref_slice %arg14[%dma_start3A_54, %dma_start3A_55] : memref<10112x48xf32, #tpu.memory_space<vmem_shared>> -> memref<10112x48xf32, #tpu.memory_space<vmem_shared>>
      tpu.enqueue_indirect_dma source(%dma_start3A_56 : memref<10112x48xf32, #tpu.memory_space<vmem_shared>>) target(%arg10 : memref<64x48xf32, #tpu.memory_space<vmem>>) offsets(%dma_start3A_53 : memref<64xi32, #tpu.memory_space<vmem>>) semaphore(%arg12 : memref<!tpu.dma_semaphore, #tpu.memory_space<semaphore_mem>>)
      %dma_wait3A_57 = arith.constant 0 : i32
      %dma_wait3A_58 = tpu.memref_slice %arg7[%mul3A_48, %dma_wait3A_57] : memref<158x64xi32, #tpu.memory_space<vmem>> -> memref<1x64xi32, #tpu.memory_space<vmem>>
      %dma_wait3A_59 = tpu.memref_squeeze %dma_wait3A_58 : memref<1x64xi32, #tpu.memory_space<vmem>> -> memref<64xi32, #tpu.memory_space<vmem>>
      %dma_wait3A_60 = arith.constant 0 : i32
      %dma_wait3A_61 = arith.constant 0 : i32
      %dma_wait3A_62 = tpu.memref_slice %arg14[%dma_wait3A_60, %dma_wait3A_61] : memref<10112x48xf32, #tpu.memory_space<vmem_shared>> -> memref<10112x48xf32, #tpu.memory_space<vmem_shared>>
      tpu.wait_indirect_dma semaphore(%arg11 : memref<!tpu.dma_semaphore, #tpu.memory_space<semaphore_mem>>) src(%dma_wait3A_62 : memref<10112x48xf32, #tpu.memory_space<vmem_shared>>) dst(%arg9 : memref<64x48xf32, #tpu.memory_space<vmem>>)
      "tpu.region"() ({
        %run_scoped3A_81 = tpu.sem_alloc : memref<!tpu.dma_semaphore, #tpu.memory_space<semaphore_mem>>
        %dma_start3A_82 = arith.constant 0 : i32
        %dma_start3A_83 = tpu.memref_slice %arg8[%mul3A_48, %dma_start3A_82] : memref<158x64xi32, #tpu.memory_space<vmem>> -> memref<1x64xi32, #tpu.memory_space<vmem>>
        %dma_start3A_84 = tpu.memref_squeeze %dma_start3A_83 : memref<1x64xi32, #tpu.memory_space<vmem>> -> memref<64xi32, #tpu.memory_space<vmem>>
        %dma_start3A_85 = arith.constant 0 : i32
        %dma_start3A_86 = arith.constant 0 : i32
        %dma_start3A_87 = tpu.memref_slice %arg13[%dma_start3A_85, %dma_start3A_86] : memref<10112x48xf32, #tpu.memory_space<vmem_shared>> -> memref<10112x48xf32, #tpu.memory_space<vmem_shared>>
        tpu.enqueue_indirect_dma source(%arg9 : memref<64x48xf32, #tpu.memory_space<vmem>>) target(%dma_start3A_87 : memref<10112x48xf32, #tpu.memory_space<vmem_shared>>) offsets(%dma_start3A_84 : memref<64xi32, #tpu.memory_space<vmem>>) semaphore(%run_scoped3A_81 : memref<!tpu.dma_semaphore, #tpu.memory_space<semaphore_mem>>) {add = true}
        %dma_wait3A_88 = arith.constant 0 : i32
        %dma_wait3A_89 = tpu.memref_slice %arg8[%mul3A_48, %dma_wait3A_88] : memref<158x64xi32, #tpu.memory_space<vmem>> -> memref<1x64xi32, #tpu.memory_space<vmem>>
        %dma_wait3A_90 = tpu.memref_squeeze %dma_wait3A_89 : memref<1x64xi32, #tpu.memory_space<vmem>> -> memref<64xi32, #tpu.memory_space<vmem>>
        %dma_wait3A_91 = arith.constant 0 : i32
        %dma_wait3A_92 = arith.constant 0 : i32
        %dma_wait3A_93 = tpu.memref_slice %arg13[%dma_wait3A_91, %dma_wait3A_92] : memref<10112x48xf32, #tpu.memory_space<vmem_shared>> -> memref<10112x48xf32, #tpu.memory_space<vmem_shared>>
        tpu.wait_indirect_dma semaphore(%run_scoped3A_81 : memref<!tpu.dma_semaphore, #tpu.memory_space<semaphore_mem>>) src(%arg9 : memref<64x48xf32, #tpu.memory_space<vmem>>) dst(%dma_wait3A_93 : memref<10112x48xf32, #tpu.memory_space<vmem_shared>>)
        tpu.yield
      }) : () -> ()
      %add3A_63 = arith.constant 2 : i32
      %add3A_64 = arith.addi %mul3A_48, %add3A_63 : i32
      %dma_start3A_65 = arith.constant 0 : i32
      %dma_start3A_66 = tpu.memref_slice %arg7[%add3A_64, %dma_start3A_65] : memref<158x64xi32, #tpu.memory_space<vmem>> -> memref<1x64xi32, #tpu.memory_space<vmem>>
      %dma_start3A_67 = tpu.memref_squeeze %dma_start3A_66 : memref<1x64xi32, #tpu.memory_space<vmem>> -> memref<64xi32, #tpu.memory_space<vmem>>
      %dma_start3A_68 = arith.constant 0 : i32
      %dma_start3A_69 = arith.constant 0 : i32
      %dma_start3A_70 = tpu.memref_slice %arg14[%dma_start3A_68, %dma_start3A_69] : memref<10112x48xf32, #tpu.memory_space<vmem_shared>> -> memref<10112x48xf32, #tpu.memory_space<vmem_shared>>
      tpu.enqueue_indirect_dma source(%dma_start3A_70 : memref<10112x48xf32, #tpu.memory_space<vmem_shared>>) target(%arg9 : memref<64x48xf32, #tpu.memory_space<vmem>>) offsets(%dma_start3A_67 : memref<64xi32, #tpu.memory_space<vmem>>) semaphore(%arg11 : memref<!tpu.dma_semaphore, #tpu.memory_space<semaphore_mem>>)
      %add3A_71 = arith.constant 1 : i32
      %add3A_72 = arith.addi %mul3A_48, %add3A_71 : i32
      %dma_wait3A_73 = arith.constant 0 : i32
      %dma_wait3A_74 = tpu.memref_slice %arg7[%add3A_72, %dma_wait3A_73] : memref<158x64xi32, #tpu.memory_space<vmem>> -> memref<1x64xi32, #tpu.memory_space<vmem>>
      %dma_wait3A_75 = tpu.memref_squeeze %dma_wait3A_74 : memref<1x64xi32, #tpu.memory_space<vmem>> -> memref<64xi32, #tpu.memory_space<vmem>>
      %dma_wait3A_76 = arith.constant 0 : i32
      %dma_wait3A_77 = arith.constant 0 : i32
      %dma_wait3A_78 = tpu.memref_slice %arg14[%dma_wait3A_76, %dma_wait3A_77] : memref<10112x48xf32, #tpu.memory_space<vmem_shared>> -> memref<10112x48xf32, #tpu.memory_space<vmem_shared>>
      tpu.wait_indirect_dma semaphore(%arg12 : memref<!tpu.dma_semaphore, #tpu.memory_space<semaphore_mem>>) src(%dma_wait3A_78 : memref<10112x48xf32, #tpu.memory_space<vmem_shared>>) dst(%arg10 : memref<64x48xf32, #tpu.memory_space<vmem>>)
      %add3A_79 = arith.constant 1 : i32
      %add3A_80 = arith.addi %mul3A_48, %add3A_79 : i32
      "tpu.region"() ({
        %run_scoped3A_81 = tpu.sem_alloc : memref<!tpu.dma_semaphore, #tpu.memory_space<semaphore_mem>>
        %dma_start3A_82 = arith.constant 0 : i32
        %dma_start3A_83 = tpu.memref_slice %arg8[%add3A_80, %dma_start3A_82] : memref<158x64xi32, #tpu.memory_space<vmem>> -> memref<1x64xi32, #tpu.memory_space<vmem>>
        %dma_start3A_84 = tpu.memref_squeeze %dma_start3A_83 : memref<1x64xi32, #tpu.memory_space<vmem>> -> memref<64xi32, #tpu.memory_space<vmem>>
        %dma_start3A_85 = arith.constant 0 : i32
        %dma_start3A_86 = arith.constant 0 : i32
        %dma_start3A_87 = tpu.memref_slice %arg13[%dma_start3A_85, %dma_start3A_86] : memref<10112x48xf32, #tpu.memory_space<vmem_shared>> -> memref<10112x48xf32, #tpu.memory_space<vmem_shared>>
        tpu.enqueue_indirect_dma source(%arg10 : memref<64x48xf32, #tpu.memory_space<vmem>>) target(%dma_start3A_87 : memref<10112x48xf32, #tpu.memory_space<vmem_shared>>) offsets(%dma_start3A_84 : memref<64xi32, #tpu.memory_space<vmem>>) semaphore(%run_scoped3A_81 : memref<!tpu.dma_semaphore, #tpu.memory_space<semaphore_mem>>) {add = true}
        %dma_wait3A_88 = arith.constant 0 : i32
        %dma_wait3A_89 = tpu.memref_slice %arg8[%add3A_80, %dma_wait3A_88] : memref<158x64xi32, #tpu.memory_space<vmem>> -> memref<1x64xi32, #tpu.memory_space<vmem>>
        %dma_wait3A_90 = tpu.memref_squeeze %dma_wait3A_89 : memref<1x64xi32, #tpu.memory_space<vmem>> -> memref<64xi32, #tpu.memory_space<vmem>>
        %dma_wait3A_91 = arith.constant 0 : i32
        %dma_wait3A_92 = arith.constant 0 : i32
        %dma_wait3A_93 = tpu.memref_slice %arg13[%dma_wait3A_91, %dma_wait3A_92] : memref<10112x48xf32, #tpu.memory_space<vmem_shared>> -> memref<10112x48xf32, #tpu.memory_space<vmem_shared>>
        tpu.wait_indirect_dma semaphore(%run_scoped3A_81 : memref<!tpu.dma_semaphore, #tpu.memory_space<semaphore_mem>>) src(%arg10 : memref<64x48xf32, #tpu.memory_space<vmem>>) dst(%dma_wait3A_93 : memref<10112x48xf32, #tpu.memory_space<vmem_shared>>)
        tpu.yield
      }) : () -> ()
    }
    %scan3A_19 = arith.constant 78 : i32
    %dma_start3A_20 = arith.constant 157 : i32
    %dma_start3A_21 = arith.constant 0 : i32
    %dma_start3A_22 = tpu.memref_slice %arg7[%dma_start3A_20, %dma_start3A_21] : memref<158x64xi32, #tpu.memory_space<vmem>> -> memref<1x64xi32, #tpu.memory_space<vmem>>
    %dma_start3A_23 = tpu.memref_squeeze %dma_start3A_22 : memref<1x64xi32, #tpu.memory_space<vmem>> -> memref<64xi32, #tpu.memory_space<vmem>>
    %dma_start3A_24 = arith.constant 0 : i32
    %dma_start3A_25 = arith.constant 0 : i32
    %dma_start3A_26 = tpu.memref_slice %arg14[%dma_start3A_24, %dma_start3A_25] : memref<10112x48xf32, #tpu.memory_space<vmem_shared>> -> memref<10112x48xf32, #tpu.memory_space<vmem_shared>>
    tpu.enqueue_indirect_dma source(%dma_start3A_26 : memref<10112x48xf32, #tpu.memory_space<vmem_shared>>) target(%arg10 : memref<64x48xf32, #tpu.memory_space<vmem>>) offsets(%dma_start3A_23 : memref<64xi32, #tpu.memory_space<vmem>>) semaphore(%arg12 : memref<!tpu.dma_semaphore, #tpu.memory_space<semaphore_mem>>)
    %dma_wait3A = arith.constant 156 : i32
    %dma_wait3A_27 = arith.constant 0 : i32
    %dma_wait3A_28 = tpu.memref_slice %arg7[%dma_wait3A, %dma_wait3A_27] : memref<158x64xi32, #tpu.memory_space<vmem>> -> memref<1x64xi32, #tpu.memory_space<vmem>>
    %dma_wait3A_29 = tpu.memref_squeeze %dma_wait3A_28 : memref<1x64xi32, #tpu.memory_space<vmem>> -> memref<64xi32, #tpu.memory_space<vmem>>
    %dma_wait3A_30 = arith.constant 0 : i32
    %dma_wait3A_31 = arith.constant 0 : i32
    %dma_wait3A_32 = tpu.memref_slice %arg14[%dma_wait3A_30, %dma_wait3A_31] : memref<10112x48xf32, #tpu.memory_space<vmem_shared>> -> memref<10112x48xf32, #tpu.memory_space<vmem_shared>>
    tpu.wait_indirect_dma semaphore(%arg11 : memref<!tpu.dma_semaphore, #tpu.memory_space<semaphore_mem>>) src(%dma_wait3A_32 : memref<10112x48xf32, #tpu.memory_space<vmem_shared>>) dst(%arg9 : memref<64x48xf32, #tpu.memory_space<vmem>>)
    %run_scoped3A = arith.constant 156 : i32
    "tpu.region"() ({
      %run_scoped3A_46 = tpu.sem_alloc : memref<!tpu.dma_semaphore, #tpu.memory_space<semaphore_mem>>
      %dma_start3A_47 = arith.constant 0 : i32
      %dma_start3A_48 = tpu.memref_slice %arg8[%run_scoped3A, %dma_start3A_47] : memref<158x64xi32, #tpu.memory_space<vmem>> -> memref<1x64xi32, #tpu.memory_space<vmem>>
      %dma_start3A_49 = tpu.memref_squeeze %dma_start3A_48 : memref<1x64xi32, #tpu.memory_space<vmem>> -> memref<64xi32, #tpu.memory_space<vmem>>
      %dma_start3A_50 = arith.constant 0 : i32
      %dma_start3A_51 = arith.constant 0 : i32
      %dma_start3A_52 = tpu.memref_slice %arg13[%dma_start3A_50, %dma_start3A_51] : memref<10112x48xf32, #tpu.memory_space<vmem_shared>> -> memref<10112x48xf32, #tpu.memory_space<vmem_shared>>
      tpu.enqueue_indirect_dma source(%arg9 : memref<64x48xf32, #tpu.memory_space<vmem>>) target(%dma_start3A_52 : memref<10112x48xf32, #tpu.memory_space<vmem_shared>>) offsets(%dma_start3A_49 : memref<64xi32, #tpu.memory_space<vmem>>) semaphore(%run_scoped3A_46 : memref<!tpu.dma_semaphore, #tpu.memory_space<semaphore_mem>>) {add = true}
      %dma_wait3A_53 = arith.constant 0 : i32
      %dma_wait3A_54 = tpu.memref_slice %arg8[%run_scoped3A, %dma_wait3A_53] : memref<158x64xi32, #tpu.memory_space<vmem>> -> memref<1x64xi32, #tpu.memory_space<vmem>>
      %dma_wait3A_55 = tpu.memref_squeeze %dma_wait3A_54 : memref<1x64xi32, #tpu.memory_space<vmem>> -> memref<64xi32, #tpu.memory_space<vmem>>
      %dma_wait3A_56 = arith.constant 0 : i32
      %dma_wait3A_57 = arith.constant 0 : i32
      %dma_wait3A_58 = tpu.memref_slice %arg13[%dma_wait3A_56, %dma_wait3A_57] : memref<10112x48xf32, #tpu.memory_space<vmem_shared>> -> memref<10112x48xf32, #tpu.memory_space<vmem_shared>>
      tpu.wait_indirect_dma semaphore(%run_scoped3A_46 : memref<!tpu.dma_semaphore, #tpu.memory_space<semaphore_mem>>) src(%arg9 : memref<64x48xf32, #tpu.memory_space<vmem>>) dst(%dma_wait3A_58 : memref<10112x48xf32, #tpu.memory_space<vmem_shared>>)
      tpu.yield
    }) : () -> ()
    %dma_wait3A_33 = arith.constant 157 : i32
    %dma_wait3A_34 = arith.constant 0 : i32
    %dma_wait3A_35 = tpu.memref_slice %arg7[%dma_wait3A_33, %dma_wait3A_34] : memref<158x64xi32, #tpu.memory_space<vmem>> -> memref<1x64xi32, #tpu.memory_space<vmem>>
    %dma_wait3A_36 = tpu.memref_squeeze %dma_wait3A_35 : memref<1x64xi32, #tpu.memory_space<vmem>> -> memref<64xi32, #tpu.memory_space<vmem>>
    %dma_wait3A_37 = arith.constant 0 : i32
    %dma_wait3A_38 = arith.constant 0 : i32
    %dma_wait3A_39 = tpu.memref_slice %arg14[%dma_wait3A_37, %dma_wait3A_38] : memref<10112x48xf32, #tpu.memory_space<vmem_shared>> -> memref<10112x48xf32, #tpu.memory_space<vmem_shared>>
    tpu.wait_indirect_dma semaphore(%arg12 : memref<!tpu.dma_semaphore, #tpu.memory_space<semaphore_mem>>) src(%dma_wait3A_39 : memref<10112x48xf32, #tpu.memory_space<vmem_shared>>) dst(%arg10 : memref<64x48xf32, #tpu.memory_space<vmem>>)
    %run_scoped3A_40 = arith.constant 157 : i32
    "tpu.region"() ({
      %run_scoped3A_46 = tpu.sem_alloc : memref<!tpu.dma_semaphore, #tpu.memory_space<semaphore_mem>>
      %dma_start3A_47 = arith.constant 0 : i32
      %dma_start3A_48 = tpu.memref_slice %arg8[%run_scoped3A_40, %dma_start3A_47] : memref<158x64xi32, #tpu.memory_space<vmem>> -> memref<1x64xi32, #tpu.memory_space<vmem>>
      %dma_start3A_49 = tpu.memref_squeeze %dma_start3A_48 : memref<1x64xi32, #tpu.memory_space<vmem>> -> memref<64xi32, #tpu.memory_space<vmem>>
      %dma_start3A_50 = arith.constant 0 : i32
      %dma_start3A_51 = arith.constant 0 : i32
      %dma_start3A_52 = tpu.memref_slice %arg13[%dma_start3A_50, %dma_start3A_51] : memref<10112x48xf32, #tpu.memory_space<vmem_shared>> -> memref<10112x48xf32, #tpu.memory_space<vmem_shared>>
      tpu.enqueue_indirect_dma source(%arg10 : memref<64x48xf32, #tpu.memory_space<vmem>>) target(%dma_start3A_52 : memref<10112x48xf32, #tpu.memory_space<vmem_shared>>) offsets(%dma_start3A_49 : memref<64xi32, #tpu.memory_space<vmem>>) semaphore(%run_scoped3A_46 : memref<!tpu.dma_semaphore, #tpu.memory_space<semaphore_mem>>) {add = true}
      %dma_wait3A_53 = arith.constant 0 : i32
      %dma_wait3A_54 = tpu.memref_slice %arg8[%run_scoped3A_40, %dma_wait3A_53] : memref<158x64xi32, #tpu.memory_space<vmem>> -> memref<1x64xi32, #tpu.memory_space<vmem>>
      %dma_wait3A_55 = tpu.memref_squeeze %dma_wait3A_54 : memref<1x64xi32, #tpu.memory_space<vmem>> -> memref<64xi32, #tpu.memory_space<vmem>>
      %dma_wait3A_56 = arith.constant 0 : i32
      %dma_wait3A_57 = arith.constant 0 : i32
      %dma_wait3A_58 = tpu.memref_slice %arg13[%dma_wait3A_56, %dma_wait3A_57] : memref<10112x48xf32, #tpu.memory_space<vmem_shared>> -> memref<10112x48xf32, #tpu.memory_space<vmem_shared>>
      tpu.wait_indirect_dma semaphore(%run_scoped3A_46 : memref<!tpu.dma_semaphore, #tpu.memory_space<semaphore_mem>>) src(%arg10 : memref<64x48xf32, #tpu.memory_space<vmem>>) dst(%dma_wait3A_58 : memref<10112x48xf32, #tpu.memory_space<vmem_shared>>)
      tpu.yield
    }) : () -> ()
    %barrier3A_41 = arith.constant 0 : index
    tpu.barrier barrier_id(%barrier3A_41)
    %mul3A_42 = arith.constant 632 : i32
    %mul3A_43 = arith.muli %arg1, %mul3A_42 : i32
    %mul3A_44 = arith.constant 632 : i32
    %mul3A_45 = arith.muli %arg1, %mul3A_44 : i32
    "tpu.region"() ({
      %run_scoped3A_46 = tpu.sem_alloc : memref<!tpu.dma_semaphore, #tpu.memory_space<semaphore_mem>>
      %dma_start3A_47 = arith.constant 0 : i32
      %dma_start3A_48 = tpu.memref_slice %arg6[%arg0, %mul3A_45, %dma_start3A_47] : memref<2x10112x48xf32, #tpu.memory_space<hbm>> -> memref<1x632x48xf32, #tpu.memory_space<hbm>>
      %dma_start3A_49 = tpu.memref_squeeze %dma_start3A_48 : memref<1x632x48xf32, #tpu.memory_space<hbm>> -> memref<632x48xf32, #tpu.memory_space<hbm>>
      %dma_start3A_50 = arith.constant 0 : i32
      %dma_start3A_51 = tpu.memref_slice %arg13[%mul3A_43, %dma_start3A_50] : memref<10112x48xf32, #tpu.memory_space<vmem_shared>> -> memref<632x48xf32, #tpu.memory_space<vmem_shared>>
      tpu.enqueue_dma source(%dma_start3A_51 : memref<632x48xf32, #tpu.memory_space<vmem_shared>>) target(%dma_start3A_49 : memref<632x48xf32, #tpu.memory_space<hbm>>) target_semaphore(%run_scoped3A_46 : memref<!tpu.dma_semaphore, #tpu.memory_space<semaphore_mem>>)
      %dma_wait3A_52 = arith.constant 0 : i32
      %dma_wait3A_53 = tpu.memref_slice %arg6[%arg0, %mul3A_45, %dma_wait3A_52] : memref<2x10112x48xf32, #tpu.memory_space<hbm>> -> memref<1x632x48xf32, #tpu.memory_space<hbm>>
      %dma_wait3A_54 = tpu.memref_squeeze %dma_wait3A_53 : memref<1x632x48xf32, #tpu.memory_space<hbm>> -> memref<632x48xf32, #tpu.memory_space<hbm>>
      %dma_wait3A_55 = arith.constant 0 : i32
      %dma_wait3A_56 = tpu.memref_slice %arg13[%mul3A_43, %dma_wait3A_55] : memref<10112x48xf32, #tpu.memory_space<vmem_shared>> -> memref<632x48xf32, #tpu.memory_space<vmem_shared>>
      tpu.wait_dma2 semaphore(%run_scoped3A_46 : memref<!tpu.dma_semaphore, #tpu.memory_space<semaphore_mem>>) src(%dma_wait3A_56 : memref<632x48xf32, #tpu.memory_space<vmem_shared>>) dst(%dma_wait3A_54 : memref<632x48xf32, #tpu.memory_space<hbm>>)
      tpu.yield
    }) : () -> ()
    return
  }
}

#map = affine_map<(d0, d1) -> (0, 0)>
#map1 = affine_map<(d0, d1) -> (0, 0, 0)>
module attributes {stable_mosaic.version = 14 : i64} {
  func.func @degk(%arg0: i32, %arg1: i32, %arg2: memref<128x8xf32, #tpu.memory_space<hbm>>, %arg3: memref<32x79x128xi32, #tpu.memory_space<hbm>>, %arg4: memref<10112x8xf32, #tpu.memory_space<hbm>>, %arg5: memref<2x10112x8xf32, #tpu.memory_space<hbm>>, %arg6: memref<79x128xi32, #tpu.memory_space<vmem>>, %arg7: memref<128x8xf32, #tpu.memory_space<vmem>>, %arg8: memref<10112x8xf32, #tpu.memory_space<vmem_shared>>) attributes {dimension_semantics = [#tpu.dimension_semantics<core_parallel>, #tpu.dimension_semantics<subcore_parallel>], iteration_bounds = array<i64: 2, 16>, scalar_prefetch = 0 : i64, scratch_operands = 3 : i64, tpu.core_type = #tpu.core_type<sc_vector_subcore>, window_params = [{transform_indices = #map}, {transform_indices = #map1}, {transform_indices = #map}, {transform_indices = #map1}]} {
    %mul3A = arith.constant 16 : i32
    %mul3A_0 = arith.muli %arg0, %mul3A : i32
    %add3A = arith.addi %mul3A_0, %arg1 : i32
    %mul3A_1 = arith.constant 632 : i32
    %mul3A_2 = arith.muli %arg1, %mul3A_1 : i32
    %mul3A_3 = arith.constant 632 : i32
    %mul3A_4 = arith.muli %arg1, %mul3A_3 : i32
    "tpu.region"() ({
      %run_scoped3A = tpu.sem_alloc : memref<!tpu.dma_semaphore, #tpu.memory_space<semaphore_mem>>
      %dma_start3A = arith.constant 0 : i32
      %dma_start3A_15 = tpu.memref_slice %arg8[%mul3A_4, %dma_start3A] : memref<10112x8xf32, #tpu.memory_space<vmem_shared>> -> memref<632x8xf32, #tpu.memory_space<vmem_shared>>
      %dma_start3A_16 = arith.constant 0 : i32
      %dma_start3A_17 = tpu.memref_slice %arg4[%mul3A_2, %dma_start3A_16] : memref<10112x8xf32, #tpu.memory_space<hbm>> -> memref<632x8xf32, #tpu.memory_space<hbm>>
      tpu.enqueue_dma source(%dma_start3A_17 : memref<632x8xf32, #tpu.memory_space<hbm>>) target(%dma_start3A_15 : memref<632x8xf32, #tpu.memory_space<vmem_shared>>) target_semaphore(%run_scoped3A : memref<!tpu.dma_semaphore, #tpu.memory_space<semaphore_mem>>)
      %dma_wait3A = arith.constant 0 : i32
      %dma_wait3A_18 = tpu.memref_slice %arg8[%mul3A_4, %dma_wait3A] : memref<10112x8xf32, #tpu.memory_space<vmem_shared>> -> memref<632x8xf32, #tpu.memory_space<vmem_shared>>
      %dma_wait3A_19 = arith.constant 0 : i32
      %dma_wait3A_20 = tpu.memref_slice %arg4[%mul3A_2, %dma_wait3A_19] : memref<10112x8xf32, #tpu.memory_space<hbm>> -> memref<632x8xf32, #tpu.memory_space<hbm>>
      tpu.wait_dma2 semaphore(%run_scoped3A : memref<!tpu.dma_semaphore, #tpu.memory_space<semaphore_mem>>) src(%dma_wait3A_20 : memref<632x8xf32, #tpu.memory_space<hbm>>) dst(%dma_wait3A_18 : memref<632x8xf32, #tpu.memory_space<vmem_shared>>)
      tpu.yield
    }) : () -> ()
    "tpu.region"() ({
      %run_scoped3A = tpu.sem_alloc : memref<!tpu.dma_semaphore, #tpu.memory_space<semaphore_mem>>
      %dma_start3A = arith.constant 0 : i32
      %dma_start3A_15 = arith.constant 0 : i32
      %dma_start3A_16 = tpu.memref_slice %arg3[%add3A, %dma_start3A, %dma_start3A_15] : memref<32x79x128xi32, #tpu.memory_space<hbm>> -> memref<1x79x128xi32, #tpu.memory_space<hbm>>
      %dma_start3A_17 = tpu.memref_squeeze %dma_start3A_16 : memref<1x79x128xi32, #tpu.memory_space<hbm>> -> memref<79x128xi32, #tpu.memory_space<hbm>>
      %dma_start3A_18 = arith.constant 0 : i32
      %dma_start3A_19 = arith.constant 0 : i32
      %dma_start3A_20 = tpu.memref_slice %arg3[%add3A, %dma_start3A_18, %dma_start3A_19] : memref<32x79x128xi32, #tpu.memory_space<hbm>> -> memref<1x79x128xi32, #tpu.memory_space<hbm>>
      %dma_start3A_21 = tpu.memref_squeeze %dma_start3A_20 : memref<1x79x128xi32, #tpu.memory_space<hbm>> -> memref<79x128xi32, #tpu.memory_space<hbm>>
      tpu.enqueue_dma source(%dma_start3A_21 : memref<79x128xi32, #tpu.memory_space<hbm>>) target(%arg6 : memref<79x128xi32, #tpu.memory_space<vmem>>) target_semaphore(%run_scoped3A : memref<!tpu.dma_semaphore, #tpu.memory_space<semaphore_mem>>)
      %dma_wait3A = arith.constant 0 : i32
      %dma_wait3A_22 = arith.constant 0 : i32
      %dma_wait3A_23 = tpu.memref_slice %arg3[%add3A, %dma_wait3A, %dma_wait3A_22] : memref<32x79x128xi32, #tpu.memory_space<hbm>> -> memref<1x79x128xi32, #tpu.memory_space<hbm>>
      %dma_wait3A_24 = tpu.memref_squeeze %dma_wait3A_23 : memref<1x79x128xi32, #tpu.memory_space<hbm>> -> memref<79x128xi32, #tpu.memory_space<hbm>>
      %dma_wait3A_25 = arith.constant 0 : i32
      %dma_wait3A_26 = arith.constant 0 : i32
      %dma_wait3A_27 = tpu.memref_slice %arg3[%add3A, %dma_wait3A_25, %dma_wait3A_26] : memref<32x79x128xi32, #tpu.memory_space<hbm>> -> memref<1x79x128xi32, #tpu.memory_space<hbm>>
      %dma_wait3A_28 = tpu.memref_squeeze %dma_wait3A_27 : memref<1x79x128xi32, #tpu.memory_space<hbm>> -> memref<79x128xi32, #tpu.memory_space<hbm>>
      tpu.wait_dma2 semaphore(%run_scoped3A : memref<!tpu.dma_semaphore, #tpu.memory_space<semaphore_mem>>) src(%dma_wait3A_28 : memref<79x128xi32, #tpu.memory_space<hbm>>) dst(%arg6 : memref<79x128xi32, #tpu.memory_space<vmem>>)
      tpu.yield
    }) : () -> ()
    "tpu.region"() ({
      %run_scoped3A = tpu.sem_alloc : memref<!tpu.dma_semaphore, #tpu.memory_space<semaphore_mem>>
      tpu.enqueue_dma source(%arg2 : memref<128x8xf32, #tpu.memory_space<hbm>>) target(%arg7 : memref<128x8xf32, #tpu.memory_space<vmem>>) target_semaphore(%run_scoped3A : memref<!tpu.dma_semaphore, #tpu.memory_space<semaphore_mem>>)
      tpu.wait_dma2 semaphore(%run_scoped3A : memref<!tpu.dma_semaphore, #tpu.memory_space<semaphore_mem>>) src(%arg2 : memref<128x8xf32, #tpu.memory_space<hbm>>) dst(%arg7 : memref<128x8xf32, #tpu.memory_space<vmem>>)
      tpu.yield
    }) : () -> ()
    %barrier3A = arith.constant 0 : index
    tpu.barrier barrier_id(%barrier3A)
    %scan3A = arith.constant 0 : i32
    %scan3A_5 = arith.constant 0 : i32
    %scan3A_6 = arith.constant 79 : i32
    %scan3A_7 = arith.addi %scan3A_5, %scan3A_6 : i32
    %scan3A_8 = arith.constant 1 : i32
    scf.for %scan3A_15 = %scan3A_5 to %scan3A_7 step %scan3A_8  : i32 {
      "tpu.region"() ({
        %run_scoped3A = tpu.sem_alloc : memref<!tpu.dma_semaphore, #tpu.memory_space<semaphore_mem>>
        %dma_start3A = arith.constant 0 : i32
        %dma_start3A_16 = tpu.memref_slice %arg6[%scan3A_15, %dma_start3A] : memref<79x128xi32, #tpu.memory_space<vmem>> -> memref<1x128xi32, #tpu.memory_space<vmem>>
        %dma_start3A_17 = tpu.memref_squeeze %dma_start3A_16 : memref<1x128xi32, #tpu.memory_space<vmem>> -> memref<128xi32, #tpu.memory_space<vmem>>
        %dma_start3A_18 = arith.constant 0 : i32
        %dma_start3A_19 = arith.constant 0 : i32
        %dma_start3A_20 = tpu.memref_slice %arg8[%dma_start3A_18, %dma_start3A_19] : memref<10112x8xf32, #tpu.memory_space<vmem_shared>> -> memref<10112x8xf32, #tpu.memory_space<vmem_shared>>
        tpu.enqueue_indirect_dma source(%arg7 : memref<128x8xf32, #tpu.memory_space<vmem>>) target(%dma_start3A_20 : memref<10112x8xf32, #tpu.memory_space<vmem_shared>>) offsets(%dma_start3A_17 : memref<128xi32, #tpu.memory_space<vmem>>) semaphore(%run_scoped3A : memref<!tpu.dma_semaphore, #tpu.memory_space<semaphore_mem>>) {add = true}
        %dma_wait3A = arith.constant 0 : i32
        %dma_wait3A_21 = tpu.memref_slice %arg6[%scan3A_15, %dma_wait3A] : memref<79x128xi32, #tpu.memory_space<vmem>> -> memref<1x128xi32, #tpu.memory_space<vmem>>
        %dma_wait3A_22 = tpu.memref_squeeze %dma_wait3A_21 : memref<1x128xi32, #tpu.memory_space<vmem>> -> memref<128xi32, #tpu.memory_space<vmem>>
        %dma_wait3A_23 = arith.constant 0 : i32
        %dma_wait3A_24 = arith.constant 0 : i32
        %dma_wait3A_25 = tpu.memref_slice %arg8[%dma_wait3A_23, %dma_wait3A_24] : memref<10112x8xf32, #tpu.memory_space<vmem_shared>> -> memref<10112x8xf32, #tpu.memory_space<vmem_shared>>
        tpu.wait_indirect_dma semaphore(%run_scoped3A : memref<!tpu.dma_semaphore, #tpu.memory_space<semaphore_mem>>) src(%arg7 : memref<128x8xf32, #tpu.memory_space<vmem>>) dst(%dma_wait3A_25 : memref<10112x8xf32, #tpu.memory_space<vmem_shared>>)
        tpu.yield
      }) : () -> ()
    }
    %scan3A_9 = arith.constant 79 : i32
    %barrier3A_10 = arith.constant 0 : index
    tpu.barrier barrier_id(%barrier3A_10)
    %mul3A_11 = arith.constant 632 : i32
    %mul3A_12 = arith.muli %arg1, %mul3A_11 : i32
    %mul3A_13 = arith.constant 632 : i32
    %mul3A_14 = arith.muli %arg1, %mul3A_13 : i32
    "tpu.region"() ({
      %run_scoped3A = tpu.sem_alloc : memref<!tpu.dma_semaphore, #tpu.memory_space<semaphore_mem>>
      %dma_start3A = arith.constant 0 : i32
      %dma_start3A_15 = tpu.memref_slice %arg5[%arg0, %mul3A_14, %dma_start3A] : memref<2x10112x8xf32, #tpu.memory_space<hbm>> -> memref<1x632x8xf32, #tpu.memory_space<hbm>>
      %dma_start3A_16 = tpu.memref_squeeze %dma_start3A_15 : memref<1x632x8xf32, #tpu.memory_space<hbm>> -> memref<632x8xf32, #tpu.memory_space<hbm>>
      %dma_start3A_17 = arith.constant 0 : i32
      %dma_start3A_18 = tpu.memref_slice %arg8[%mul3A_12, %dma_start3A_17] : memref<10112x8xf32, #tpu.memory_space<vmem_shared>> -> memref<632x8xf32, #tpu.memory_space<vmem_shared>>
      tpu.enqueue_dma source(%dma_start3A_18 : memref<632x8xf32, #tpu.memory_space<vmem_shared>>) target(%dma_start3A_16 : memref<632x8xf32, #tpu.memory_space<hbm>>) target_semaphore(%run_scoped3A : memref<!tpu.dma_semaphore, #tpu.memory_space<semaphore_mem>>)
      %dma_wait3A = arith.constant 0 : i32
      %dma_wait3A_19 = tpu.memref_slice %arg5[%arg0, %mul3A_14, %dma_wait3A] : memref<2x10112x8xf32, #tpu.memory_space<hbm>> -> memref<1x632x8xf32, #tpu.memory_space<hbm>>
      %dma_wait3A_20 = tpu.memref_squeeze %dma_wait3A_19 : memref<1x632x8xf32, #tpu.memory_space<hbm>> -> memref<632x8xf32, #tpu.memory_space<hbm>>
      %dma_wait3A_21 = arith.constant 0 : i32
      %dma_wait3A_22 = tpu.memref_slice %arg8[%mul3A_12, %dma_wait3A_21] : memref<10112x8xf32, #tpu.memory_space<vmem_shared>> -> memref<632x8xf32, #tpu.memory_space<vmem_shared>>
      tpu.wait_dma2 semaphore(%run_scoped3A : memref<!tpu.dma_semaphore, #tpu.memory_space<semaphore_mem>>) src(%dma_wait3A_22 : memref<632x8xf32, #tpu.memory_space<vmem_shared>>) dst(%dma_wait3A_20 : memref<632x8xf32, #tpu.memory_space<hbm>>)
      tpu.yield
    }) : () -> ()
    return
  }
}

#map = affine_map<(d0, d1) -> (0, 0)>
#map1 = affine_map<(d0, d1) -> (0, 0, 0)>
module attributes {stable_mosaic.version = 14 : i64} {
  func.func @conv(%arg0: i32, %arg1: i32, %arg2: memref<10112x128xf32, #tpu.memory_space<hbm>>, %arg3: memref<16x314x64xi32, #tpu.memory_space<hbm>>, %arg4: memref<16x314x64xi32, #tpu.memory_space<hbm>>, %arg5: memref<10112x64xf32, #tpu.memory_space<hbm>>, %arg6: memref<2x10112x64xf32, #tpu.memory_space<hbm>>, %arg7: memref<314x64xi32, #tpu.memory_space<vmem>>, %arg8: memref<314x64xi32, #tpu.memory_space<vmem>>, %arg9: memref<64x64xf32, #tpu.memory_space<vmem>>, %arg10: memref<64x64xf32, #tpu.memory_space<vmem>>, %arg11: memref<!tpu.dma_semaphore, #tpu.memory_space<semaphore_mem>>, %arg12: memref<!tpu.dma_semaphore, #tpu.memory_space<semaphore_mem>>, %arg13: memref<10112x64xf32, #tpu.memory_space<vmem_shared>>, %arg14: memref<10112x64xf32, #tpu.memory_space<vmem_shared>>) attributes {dimension_semantics = [#tpu.dimension_semantics<core_parallel>, #tpu.dimension_semantics<subcore_parallel>], iteration_bounds = array<i64: 2, 16>, scalar_prefetch = 0 : i64, scratch_operands = 8 : i64, tpu.core_type = #tpu.core_type<sc_vector_subcore>, window_params = [{transform_indices = #map}, {transform_indices = #map1}, {transform_indices = #map1}, {transform_indices = #map}, {transform_indices = #map1}]} {
    "tpu.region"() ({
      %run_scoped3A_46 = tpu.sem_alloc : memref<!tpu.dma_semaphore, #tpu.memory_space<semaphore_mem>>
      %dma_start3A_47 = arith.constant 0 : i32
      %dma_start3A_48 = arith.constant 0 : i32
      %dma_start3A_49 = tpu.memref_slice %arg3[%arg1, %dma_start3A_47, %dma_start3A_48] : memref<16x314x64xi32, #tpu.memory_space<hbm>> -> memref<1x314x64xi32, #tpu.memory_space<hbm>>
      %dma_start3A_50 = tpu.memref_squeeze %dma_start3A_49 : memref<1x314x64xi32, #tpu.memory_space<hbm>> -> memref<314x64xi32, #tpu.memory_space<hbm>>
      %dma_start3A_51 = arith.constant 0 : i32
      %dma_start3A_52 = arith.constant 0 : i32
      %dma_start3A_53 = tpu.memref_slice %arg3[%arg1, %dma_start3A_51, %dma_start3A_52] : memref<16x314x64xi32, #tpu.memory_space<hbm>> -> memref<1x314x64xi32, #tpu.memory_space<hbm>>
      %dma_start3A_54 = tpu.memref_squeeze %dma_start3A_53 : memref<1x314x64xi32, #tpu.memory_space<hbm>> -> memref<314x64xi32, #tpu.memory_space<hbm>>
      tpu.enqueue_dma source(%dma_start3A_54 : memref<314x64xi32, #tpu.memory_space<hbm>>) target(%arg7 : memref<314x64xi32, #tpu.memory_space<vmem>>) target_semaphore(%run_scoped3A_46 : memref<!tpu.dma_semaphore, #tpu.memory_space<semaphore_mem>>)
      %dma_wait3A_55 = arith.constant 0 : i32
      %dma_wait3A_56 = arith.constant 0 : i32
      %dma_wait3A_57 = tpu.memref_slice %arg3[%arg1, %dma_wait3A_55, %dma_wait3A_56] : memref<16x314x64xi32, #tpu.memory_space<hbm>> -> memref<1x314x64xi32, #tpu.memory_space<hbm>>
      %dma_wait3A_58 = tpu.memref_squeeze %dma_wait3A_57 : memref<1x314x64xi32, #tpu.memory_space<hbm>> -> memref<314x64xi32, #tpu.memory_space<hbm>>
      %dma_wait3A_59 = arith.constant 0 : i32
      %dma_wait3A_60 = arith.constant 0 : i32
      %dma_wait3A_61 = tpu.memref_slice %arg3[%arg1, %dma_wait3A_59, %dma_wait3A_60] : memref<16x314x64xi32, #tpu.memory_space<hbm>> -> memref<1x314x64xi32, #tpu.memory_space<hbm>>
      %dma_wait3A_62 = tpu.memref_squeeze %dma_wait3A_61 : memref<1x314x64xi32, #tpu.memory_space<hbm>> -> memref<314x64xi32, #tpu.memory_space<hbm>>
      tpu.wait_dma2 semaphore(%run_scoped3A_46 : memref<!tpu.dma_semaphore, #tpu.memory_space<semaphore_mem>>) src(%dma_wait3A_62 : memref<314x64xi32, #tpu.memory_space<hbm>>) dst(%arg7 : memref<314x64xi32, #tpu.memory_space<vmem>>)
      tpu.yield
    }) : () -> ()
    "tpu.region"() ({
      %run_scoped3A_46 = tpu.sem_alloc : memref<!tpu.dma_semaphore, #tpu.memory_space<semaphore_mem>>
      %dma_start3A_47 = arith.constant 0 : i32
      %dma_start3A_48 = arith.constant 0 : i32
      %dma_start3A_49 = tpu.memref_slice %arg4[%arg1, %dma_start3A_47, %dma_start3A_48] : memref<16x314x64xi32, #tpu.memory_space<hbm>> -> memref<1x314x64xi32, #tpu.memory_space<hbm>>
      %dma_start3A_50 = tpu.memref_squeeze %dma_start3A_49 : memref<1x314x64xi32, #tpu.memory_space<hbm>> -> memref<314x64xi32, #tpu.memory_space<hbm>>
      %dma_start3A_51 = arith.constant 0 : i32
      %dma_start3A_52 = arith.constant 0 : i32
      %dma_start3A_53 = tpu.memref_slice %arg4[%arg1, %dma_start3A_51, %dma_start3A_52] : memref<16x314x64xi32, #tpu.memory_space<hbm>> -> memref<1x314x64xi32, #tpu.memory_space<hbm>>
      %dma_start3A_54 = tpu.memref_squeeze %dma_start3A_53 : memref<1x314x64xi32, #tpu.memory_space<hbm>> -> memref<314x64xi32, #tpu.memory_space<hbm>>
      tpu.enqueue_dma source(%dma_start3A_54 : memref<314x64xi32, #tpu.memory_space<hbm>>) target(%arg8 : memref<314x64xi32, #tpu.memory_space<vmem>>) target_semaphore(%run_scoped3A_46 : memref<!tpu.dma_semaphore, #tpu.memory_space<semaphore_mem>>)
      %dma_wait3A_55 = arith.constant 0 : i32
      %dma_wait3A_56 = arith.constant 0 : i32
      %dma_wait3A_57 = tpu.memref_slice %arg4[%arg1, %dma_wait3A_55, %dma_wait3A_56] : memref<16x314x64xi32, #tpu.memory_space<hbm>> -> memref<1x314x64xi32, #tpu.memory_space<hbm>>
      %dma_wait3A_58 = tpu.memref_squeeze %dma_wait3A_57 : memref<1x314x64xi32, #tpu.memory_space<hbm>> -> memref<314x64xi32, #tpu.memory_space<hbm>>
      %dma_wait3A_59 = arith.constant 0 : i32
      %dma_wait3A_60 = arith.constant 0 : i32
      %dma_wait3A_61 = tpu.memref_slice %arg4[%arg1, %dma_wait3A_59, %dma_wait3A_60] : memref<16x314x64xi32, #tpu.memory_space<hbm>> -> memref<1x314x64xi32, #tpu.memory_space<hbm>>
      %dma_wait3A_62 = tpu.memref_squeeze %dma_wait3A_61 : memref<1x314x64xi32, #tpu.memory_space<hbm>> -> memref<314x64xi32, #tpu.memory_space<hbm>>
      tpu.wait_dma2 semaphore(%run_scoped3A_46 : memref<!tpu.dma_semaphore, #tpu.memory_space<semaphore_mem>>) src(%dma_wait3A_62 : memref<314x64xi32, #tpu.memory_space<hbm>>) dst(%arg8 : memref<314x64xi32, #tpu.memory_space<vmem>>)
      tpu.yield
    }) : () -> ()
    %mul3A = arith.constant 632 : i32
    %mul3A_0 = arith.muli %arg1, %mul3A : i32
    %mul3A_1 = arith.constant 632 : i32
    %mul3A_2 = arith.muli %arg1, %mul3A_1 : i32
    "tpu.region"() ({
      %run_scoped3A_46 = tpu.sem_alloc : memref<!tpu.dma_semaphore, #tpu.memory_space<semaphore_mem>>
      %dma_start3A_47 = arith.constant 0 : i32
      %dma_start3A_48 = tpu.memref_slice %arg13[%mul3A_2, %dma_start3A_47] : memref<10112x64xf32, #tpu.memory_space<vmem_shared>> -> memref<632x64xf32, #tpu.memory_space<vmem_shared>>
      %dma_start3A_49 = arith.constant 0 : i32
      %dma_start3A_50 = tpu.memref_slice %arg5[%mul3A_0, %dma_start3A_49] : memref<10112x64xf32, #tpu.memory_space<hbm>> -> memref<632x64xf32, #tpu.memory_space<hbm>>
      tpu.enqueue_dma source(%dma_start3A_50 : memref<632x64xf32, #tpu.memory_space<hbm>>) target(%dma_start3A_48 : memref<632x64xf32, #tpu.memory_space<vmem_shared>>) target_semaphore(%run_scoped3A_46 : memref<!tpu.dma_semaphore, #tpu.memory_space<semaphore_mem>>)
      %dma_wait3A_51 = arith.constant 0 : i32
      %dma_wait3A_52 = tpu.memref_slice %arg13[%mul3A_2, %dma_wait3A_51] : memref<10112x64xf32, #tpu.memory_space<vmem_shared>> -> memref<632x64xf32, #tpu.memory_space<vmem_shared>>
      %dma_wait3A_53 = arith.constant 0 : i32
      %dma_wait3A_54 = tpu.memref_slice %arg5[%mul3A_0, %dma_wait3A_53] : memref<10112x64xf32, #tpu.memory_space<hbm>> -> memref<632x64xf32, #tpu.memory_space<hbm>>
      tpu.wait_dma2 semaphore(%run_scoped3A_46 : memref<!tpu.dma_semaphore, #tpu.memory_space<semaphore_mem>>) src(%dma_wait3A_54 : memref<632x64xf32, #tpu.memory_space<hbm>>) dst(%dma_wait3A_52 : memref<632x64xf32, #tpu.memory_space<vmem_shared>>)
      tpu.yield
    }) : () -> ()
    %mul3A_3 = arith.constant 632 : i32
    %mul3A_4 = arith.muli %arg1, %mul3A_3 : i32
    %mul3A_5 = arith.constant 64 : i32
    %mul3A_6 = arith.muli %arg0, %mul3A_5 : i32
    %mul3A_7 = arith.constant 632 : i32
    %mul3A_8 = arith.muli %arg1, %mul3A_7 : i32
    "tpu.region"() ({
      %run_scoped3A_46 = tpu.sem_alloc : memref<!tpu.dma_semaphore, #tpu.memory_space<semaphore_mem>>
      %dma_start3A_47 = arith.constant 0 : i32
      %dma_start3A_48 = tpu.memref_slice %arg14[%mul3A_8, %dma_start3A_47] : memref<10112x64xf32, #tpu.memory_space<vmem_shared>> -> memref<632x64xf32, #tpu.memory_space<vmem_shared>>
      %dma_start3A_49 = tpu.memref_slice %arg2[%mul3A_4, %mul3A_6] : memref<10112x128xf32, #tpu.memory_space<hbm>> -> memref<632x64xf32, #tpu.memory_space<hbm>>
      tpu.enqueue_dma source(%dma_start3A_49 : memref<632x64xf32, #tpu.memory_space<hbm>>) target(%dma_start3A_48 : memref<632x64xf32, #tpu.memory_space<vmem_shared>>) target_semaphore(%run_scoped3A_46 : memref<!tpu.dma_semaphore, #tpu.memory_space<semaphore_mem>>)
      %dma_wait3A_50 = arith.constant 0 : i32
      %dma_wait3A_51 = tpu.memref_slice %arg14[%mul3A_8, %dma_wait3A_50] : memref<10112x64xf32, #tpu.memory_space<vmem_shared>> -> memref<632x64xf32, #tpu.memory_space<vmem_shared>>
      %dma_wait3A_52 = tpu.memref_slice %arg2[%mul3A_4, %mul3A_6] : memref<10112x128xf32, #tpu.memory_space<hbm>> -> memref<632x64xf32, #tpu.memory_space<hbm>>
      tpu.wait_dma2 semaphore(%run_scoped3A_46 : memref<!tpu.dma_semaphore, #tpu.memory_space<semaphore_mem>>) src(%dma_wait3A_52 : memref<632x64xf32, #tpu.memory_space<hbm>>) dst(%dma_wait3A_51 : memref<632x64xf32, #tpu.memory_space<vmem_shared>>)
      tpu.yield
    }) : () -> ()
    %barrier3A = arith.constant 0 : index
    tpu.barrier barrier_id(%barrier3A)
    %dma_start3A = arith.constant 0 : i32
    %dma_start3A_9 = arith.constant 0 : i32
    %dma_start3A_10 = tpu.memref_slice %arg7[%dma_start3A, %dma_start3A_9] : memref<314x64xi32, #tpu.memory_space<vmem>> -> memref<1x64xi32, #tpu.memory_space<vmem>>
    %dma_start3A_11 = tpu.memref_squeeze %dma_start3A_10 : memref<1x64xi32, #tpu.memory_space<vmem>> -> memref<64xi32, #tpu.memory_space<vmem>>
    %dma_start3A_12 = arith.constant 0 : i32
    %dma_start3A_13 = arith.constant 0 : i32
    %dma_start3A_14 = tpu.memref_slice %arg14[%dma_start3A_12, %dma_start3A_13] : memref<10112x64xf32, #tpu.memory_space<vmem_shared>> -> memref<10112x64xf32, #tpu.memory_space<vmem_shared>>
    tpu.enqueue_indirect_dma source(%dma_start3A_14 : memref<10112x64xf32, #tpu.memory_space<vmem_shared>>) target(%arg9 : memref<64x64xf32, #tpu.memory_space<vmem>>) offsets(%dma_start3A_11 : memref<64xi32, #tpu.memory_space<vmem>>) semaphore(%arg11 : memref<!tpu.dma_semaphore, #tpu.memory_space<semaphore_mem>>)
    %scan3A = arith.constant 0 : i32
    %scan3A_15 = arith.constant 0 : i32
    %scan3A_16 = arith.constant 156 : i32
    %scan3A_17 = arith.addi %scan3A_15, %scan3A_16 : i32
    %scan3A_18 = arith.constant 1 : i32
    scf.for %scan3A_46 = %scan3A_15 to %scan3A_17 step %scan3A_18  : i32 {
      %mul3A_47 = arith.constant 2 : i32
      %mul3A_48 = arith.muli %mul3A_47, %scan3A_46 : i32
      %add3A = arith.constant 1 : i32
      %add3A_49 = arith.addi %mul3A_48, %add3A : i32
      %dma_start3A_50 = arith.constant 0 : i32
      %dma_start3A_51 = tpu.memref_slice %arg7[%add3A_49, %dma_start3A_50] : memref<314x64xi32, #tpu.memory_space<vmem>> -> memref<1x64xi32, #tpu.memory_space<vmem>>
      %dma_start3A_52 = tpu.memref_squeeze %dma_start3A_51 : memref<1x64xi32, #tpu.memory_space<vmem>> -> memref<64xi32, #tpu.memory_space<vmem>>
      %dma_start3A_53 = arith.constant 0 : i32
      %dma_start3A_54 = arith.constant 0 : i32
      %dma_start3A_55 = tpu.memref_slice %arg14[%dma_start3A_53, %dma_start3A_54] : memref<10112x64xf32, #tpu.memory_space<vmem_shared>> -> memref<10112x64xf32, #tpu.memory_space<vmem_shared>>
      tpu.enqueue_indirect_dma source(%dma_start3A_55 : memref<10112x64xf32, #tpu.memory_space<vmem_shared>>) target(%arg10 : memref<64x64xf32, #tpu.memory_space<vmem>>) offsets(%dma_start3A_52 : memref<64xi32, #tpu.memory_space<vmem>>) semaphore(%arg12 : memref<!tpu.dma_semaphore, #tpu.memory_space<semaphore_mem>>)
      %dma_wait3A_56 = arith.constant 0 : i32
      %dma_wait3A_57 = tpu.memref_slice %arg7[%mul3A_48, %dma_wait3A_56] : memref<314x64xi32, #tpu.memory_space<vmem>> -> memref<1x64xi32, #tpu.memory_space<vmem>>
      %dma_wait3A_58 = tpu.memref_squeeze %dma_wait3A_57 : memref<1x64xi32, #tpu.memory_space<vmem>> -> memref<64xi32, #tpu.memory_space<vmem>>
      %dma_wait3A_59 = arith.constant 0 : i32
      %dma_wait3A_60 = arith.constant 0 : i32
      %dma_wait3A_61 = tpu.memref_slice %arg14[%dma_wait3A_59, %dma_wait3A_60] : memref<10112x64xf32, #tpu.memory_space<vmem_shared>> -> memref<10112x64xf32, #tpu.memory_space<vmem_shared>>
      tpu.wait_indirect_dma semaphore(%arg11 : memref<!tpu.dma_semaphore, #tpu.memory_space<semaphore_mem>>) src(%dma_wait3A_61 : memref<10112x64xf32, #tpu.memory_space<vmem_shared>>) dst(%arg9 : memref<64x64xf32, #tpu.memory_space<vmem>>)
      "tpu.region"() ({
        %run_scoped3A_80 = tpu.sem_alloc : memref<!tpu.dma_semaphore, #tpu.memory_space<semaphore_mem>>
        %dma_start3A_81 = arith.constant 0 : i32
        %dma_start3A_82 = tpu.memref_slice %arg8[%mul3A_48, %dma_start3A_81] : memref<314x64xi32, #tpu.memory_space<vmem>> -> memref<1x64xi32, #tpu.memory_space<vmem>>
        %dma_start3A_83 = tpu.memref_squeeze %dma_start3A_82 : memref<1x64xi32, #tpu.memory_space<vmem>> -> memref<64xi32, #tpu.memory_space<vmem>>
        %dma_start3A_84 = arith.constant 0 : i32
        %dma_start3A_85 = arith.constant 0 : i32
        %dma_start3A_86 = tpu.memref_slice %arg13[%dma_start3A_84, %dma_start3A_85] : memref<10112x64xf32, #tpu.memory_space<vmem_shared>> -> memref<10112x64xf32, #tpu.memory_space<vmem_shared>>
        tpu.enqueue_indirect_dma source(%arg9 : memref<64x64xf32, #tpu.memory_space<vmem>>) target(%dma_start3A_86 : memref<10112x64xf32, #tpu.memory_space<vmem_shared>>) offsets(%dma_start3A_83 : memref<64xi32, #tpu.memory_space<vmem>>) semaphore(%run_scoped3A_80 : memref<!tpu.dma_semaphore, #tpu.memory_space<semaphore_mem>>) {add = true}
        %dma_wait3A_87 = arith.constant 0 : i32
        %dma_wait3A_88 = tpu.memref_slice %arg8[%mul3A_48, %dma_wait3A_87] : memref<314x64xi32, #tpu.memory_space<vmem>> -> memref<1x64xi32, #tpu.memory_space<vmem>>
        %dma_wait3A_89 = tpu.memref_squeeze %dma_wait3A_88 : memref<1x64xi32, #tpu.memory_space<vmem>> -> memref<64xi32, #tpu.memory_space<vmem>>
        %dma_wait3A_90 = arith.constant 0 : i32
        %dma_wait3A_91 = arith.constant 0 : i32
        %dma_wait3A_92 = tpu.memref_slice %arg13[%dma_wait3A_90, %dma_wait3A_91] : memref<10112x64xf32, #tpu.memory_space<vmem_shared>> -> memref<10112x64xf32, #tpu.memory_space<vmem_shared>>
        tpu.wait_indirect_dma semaphore(%run_scoped3A_80 : memref<!tpu.dma_semaphore, #tpu.memory_space<semaphore_mem>>) src(%arg9 : memref<64x64xf32, #tpu.memory_space<vmem>>) dst(%dma_wait3A_92 : memref<10112x64xf32, #tpu.memory_space<vmem_shared>>)
        tpu.yield
      }) : () -> ()
      %add3A_62 = arith.constant 2 : i32
      %add3A_63 = arith.addi %mul3A_48, %add3A_62 : i32
      %dma_start3A_64 = arith.constant 0 : i32
      %dma_start3A_65 = tpu.memref_slice %arg7[%add3A_63, %dma_start3A_64] : memref<314x64xi32, #tpu.memory_space<vmem>> -> memref<1x64xi32, #tpu.memory_space<vmem>>
      %dma_start3A_66 = tpu.memref_squeeze %dma_start3A_65 : memref<1x64xi32, #tpu.memory_space<vmem>> -> memref<64xi32, #tpu.memory_space<vmem>>
      %dma_start3A_67 = arith.constant 0 : i32
      %dma_start3A_68 = arith.constant 0 : i32
      %dma_start3A_69 = tpu.memref_slice %arg14[%dma_start3A_67, %dma_start3A_68] : memref<10112x64xf32, #tpu.memory_space<vmem_shared>> -> memref<10112x64xf32, #tpu.memory_space<vmem_shared>>
      tpu.enqueue_indirect_dma source(%dma_start3A_69 : memref<10112x64xf32, #tpu.memory_space<vmem_shared>>) target(%arg9 : memref<64x64xf32, #tpu.memory_space<vmem>>) offsets(%dma_start3A_66 : memref<64xi32, #tpu.memory_space<vmem>>) semaphore(%arg11 : memref<!tpu.dma_semaphore, #tpu.memory_space<semaphore_mem>>)
      %add3A_70 = arith.constant 1 : i32
      %add3A_71 = arith.addi %mul3A_48, %add3A_70 : i32
      %dma_wait3A_72 = arith.constant 0 : i32
      %dma_wait3A_73 = tpu.memref_slice %arg7[%add3A_71, %dma_wait3A_72] : memref<314x64xi32, #tpu.memory_space<vmem>> -> memref<1x64xi32, #tpu.memory_space<vmem>>
      %dma_wait3A_74 = tpu.memref_squeeze %dma_wait3A_73 : memref<1x64xi32, #tpu.memory_space<vmem>> -> memref<64xi32, #tpu.memory_space<vmem>>
      %dma_wait3A_75 = arith.constant 0 : i32
      %dma_wait3A_76 = arith.constant 0 : i32
      %dma_wait3A_77 = tpu.memref_slice %arg14[%dma_wait3A_75, %dma_wait3A_76] : memref<10112x64xf32, #tpu.memory_space<vmem_shared>> -> memref<10112x64xf32, #tpu.memory_space<vmem_shared>>
      tpu.wait_indirect_dma semaphore(%arg12 : memref<!tpu.dma_semaphore, #tpu.memory_space<semaphore_mem>>) src(%dma_wait3A_77 : memref<10112x64xf32, #tpu.memory_space<vmem_shared>>) dst(%arg10 : memref<64x64xf32, #tpu.memory_space<vmem>>)
      %add3A_78 = arith.constant 1 : i32
      %add3A_79 = arith.addi %mul3A_48, %add3A_78 : i32
      "tpu.region"() ({
        %run_scoped3A_80 = tpu.sem_alloc : memref<!tpu.dma_semaphore, #tpu.memory_space<semaphore_mem>>
        %dma_start3A_81 = arith.constant 0 : i32
        %dma_start3A_82 = tpu.memref_slice %arg8[%add3A_79, %dma_start3A_81] : memref<314x64xi32, #tpu.memory_space<vmem>> -> memref<1x64xi32, #tpu.memory_space<vmem>>
        %dma_start3A_83 = tpu.memref_squeeze %dma_start3A_82 : memref<1x64xi32, #tpu.memory_space<vmem>> -> memref<64xi32, #tpu.memory_space<vmem>>
        %dma_start3A_84 = arith.constant 0 : i32
        %dma_start3A_85 = arith.constant 0 : i32
        %dma_start3A_86 = tpu.memref_slice %arg13[%dma_start3A_84, %dma_start3A_85] : memref<10112x64xf32, #tpu.memory_space<vmem_shared>> -> memref<10112x64xf32, #tpu.memory_space<vmem_shared>>
        tpu.enqueue_indirect_dma source(%arg10 : memref<64x64xf32, #tpu.memory_space<vmem>>) target(%dma_start3A_86 : memref<10112x64xf32, #tpu.memory_space<vmem_shared>>) offsets(%dma_start3A_83 : memref<64xi32, #tpu.memory_space<vmem>>) semaphore(%run_scoped3A_80 : memref<!tpu.dma_semaphore, #tpu.memory_space<semaphore_mem>>) {add = true}
        %dma_wait3A_87 = arith.constant 0 : i32
        %dma_wait3A_88 = tpu.memref_slice %arg8[%add3A_79, %dma_wait3A_87] : memref<314x64xi32, #tpu.memory_space<vmem>> -> memref<1x64xi32, #tpu.memory_space<vmem>>
        %dma_wait3A_89 = tpu.memref_squeeze %dma_wait3A_88 : memref<1x64xi32, #tpu.memory_space<vmem>> -> memref<64xi32, #tpu.memory_space<vmem>>
        %dma_wait3A_90 = arith.constant 0 : i32
        %dma_wait3A_91 = arith.constant 0 : i32
        %dma_wait3A_92 = tpu.memref_slice %arg13[%dma_wait3A_90, %dma_wait3A_91] : memref<10112x64xf32, #tpu.memory_space<vmem_shared>> -> memref<10112x64xf32, #tpu.memory_space<vmem_shared>>
        tpu.wait_indirect_dma semaphore(%run_scoped3A_80 : memref<!tpu.dma_semaphore, #tpu.memory_space<semaphore_mem>>) src(%arg10 : memref<64x64xf32, #tpu.memory_space<vmem>>) dst(%dma_wait3A_92 : memref<10112x64xf32, #tpu.memory_space<vmem_shared>>)
        tpu.yield
      }) : () -> ()
    }
    %scan3A_19 = arith.constant 156 : i32
    %dma_start3A_20 = arith.constant 313 : i32
    %dma_start3A_21 = arith.constant 0 : i32
    %dma_start3A_22 = tpu.memref_slice %arg7[%dma_start3A_20, %dma_start3A_21] : memref<314x64xi32, #tpu.memory_space<vmem>> -> memref<1x64xi32, #tpu.memory_space<vmem>>
    %dma_start3A_23 = tpu.memref_squeeze %dma_start3A_22 : memref<1x64xi32, #tpu.memory_space<vmem>> -> memref<64xi32, #tpu.memory_space<vmem>>
    %dma_start3A_24 = arith.constant 0 : i32
    %dma_start3A_25 = arith.constant 0 : i32
    %dma_start3A_26 = tpu.memref_slice %arg14[%dma_start3A_24, %dma_start3A_25] : memref<10112x64xf32, #tpu.memory_space<vmem_shared>> -> memref<10112x64xf32, #tpu.memory_space<vmem_shared>>
    tpu.enqueue_indirect_dma source(%dma_start3A_26 : memref<10112x64xf32, #tpu.memory_space<vmem_shared>>) target(%arg10 : memref<64x64xf32, #tpu.memory_space<vmem>>) offsets(%dma_start3A_23 : memref<64xi32, #tpu.memory_space<vmem>>) semaphore(%arg12 : memref<!tpu.dma_semaphore, #tpu.memory_space<semaphore_mem>>)
    %dma_wait3A = arith.constant 312 : i32
    %dma_wait3A_27 = arith.constant 0 : i32
    %dma_wait3A_28 = tpu.memref_slice %arg7[%dma_wait3A, %dma_wait3A_27] : memref<314x64xi32, #tpu.memory_space<vmem>> -> memref<1x64xi32, #tpu.memory_space<vmem>>
    %dma_wait3A_29 = tpu.memref_squeeze %dma_wait3A_28 : memref<1x64xi32, #tpu.memory_space<vmem>> -> memref<64xi32, #tpu.memory_space<vmem>>
    %dma_wait3A_30 = arith.constant 0 : i32
    %dma_wait3A_31 = arith.constant 0 : i32
    %dma_wait3A_32 = tpu.memref_slice %arg14[%dma_wait3A_30, %dma_wait3A_31] : memref<10112x64xf32, #tpu.memory_space<vmem_shared>> -> memref<10112x64xf32, #tpu.memory_space<vmem_shared>>
    tpu.wait_indirect_dma semaphore(%arg11 : memref<!tpu.dma_semaphore, #tpu.memory_space<semaphore_mem>>) src(%dma_wait3A_32 : memref<10112x64xf32, #tpu.memory_space<vmem_shared>>) dst(%arg9 : memref<64x64xf32, #tpu.memory_space<vmem>>)
    %run_scoped3A = arith.constant 312 : i32
    "tpu.region"() ({
      %run_scoped3A_46 = tpu.sem_alloc : memref<!tpu.dma_semaphore, #tpu.memory_space<semaphore_mem>>
      %dma_start3A_47 = arith.constant 0 : i32
      %dma_start3A_48 = tpu.memref_slice %arg8[%run_scoped3A, %dma_start3A_47] : memref<314x64xi32, #tpu.memory_space<vmem>> -> memref<1x64xi32, #tpu.memory_space<vmem>>
      %dma_start3A_49 = tpu.memref_squeeze %dma_start3A_48 : memref<1x64xi32, #tpu.memory_space<vmem>> -> memref<64xi32, #tpu.memory_space<vmem>>
      %dma_start3A_50 = arith.constant 0 : i32
      %dma_start3A_51 = arith.constant 0 : i32
      %dma_start3A_52 = tpu.memref_slice %arg13[%dma_start3A_50, %dma_start3A_51] : memref<10112x64xf32, #tpu.memory_space<vmem_shared>> -> memref<10112x64xf32, #tpu.memory_space<vmem_shared>>
      tpu.enqueue_indirect_dma source(%arg9 : memref<64x64xf32, #tpu.memory_space<vmem>>) target(%dma_start3A_52 : memref<10112x64xf32, #tpu.memory_space<vmem_shared>>) offsets(%dma_start3A_49 : memref<64xi32, #tpu.memory_space<vmem>>) semaphore(%run_scoped3A_46 : memref<!tpu.dma_semaphore, #tpu.memory_space<semaphore_mem>>) {add = true}
      %dma_wait3A_53 = arith.constant 0 : i32
      %dma_wait3A_54 = tpu.memref_slice %arg8[%run_scoped3A, %dma_wait3A_53] : memref<314x64xi32, #tpu.memory_space<vmem>> -> memref<1x64xi32, #tpu.memory_space<vmem>>
      %dma_wait3A_55 = tpu.memref_squeeze %dma_wait3A_54 : memref<1x64xi32, #tpu.memory_space<vmem>> -> memref<64xi32, #tpu.memory_space<vmem>>
      %dma_wait3A_56 = arith.constant 0 : i32
      %dma_wait3A_57 = arith.constant 0 : i32
      %dma_wait3A_58 = tpu.memref_slice %arg13[%dma_wait3A_56, %dma_wait3A_57] : memref<10112x64xf32, #tpu.memory_space<vmem_shared>> -> memref<10112x64xf32, #tpu.memory_space<vmem_shared>>
      tpu.wait_indirect_dma semaphore(%run_scoped3A_46 : memref<!tpu.dma_semaphore, #tpu.memory_space<semaphore_mem>>) src(%arg9 : memref<64x64xf32, #tpu.memory_space<vmem>>) dst(%dma_wait3A_58 : memref<10112x64xf32, #tpu.memory_space<vmem_shared>>)
      tpu.yield
    }) : () -> ()
    %dma_wait3A_33 = arith.constant 313 : i32
    %dma_wait3A_34 = arith.constant 0 : i32
    %dma_wait3A_35 = tpu.memref_slice %arg7[%dma_wait3A_33, %dma_wait3A_34] : memref<314x64xi32, #tpu.memory_space<vmem>> -> memref<1x64xi32, #tpu.memory_space<vmem>>
    %dma_wait3A_36 = tpu.memref_squeeze %dma_wait3A_35 : memref<1x64xi32, #tpu.memory_space<vmem>> -> memref<64xi32, #tpu.memory_space<vmem>>
    %dma_wait3A_37 = arith.constant 0 : i32
    %dma_wait3A_38 = arith.constant 0 : i32
    %dma_wait3A_39 = tpu.memref_slice %arg14[%dma_wait3A_37, %dma_wait3A_38] : memref<10112x64xf32, #tpu.memory_space<vmem_shared>> -> memref<10112x64xf32, #tpu.memory_space<vmem_shared>>
    tpu.wait_indirect_dma semaphore(%arg12 : memref<!tpu.dma_semaphore, #tpu.memory_space<semaphore_mem>>) src(%dma_wait3A_39 : memref<10112x64xf32, #tpu.memory_space<vmem_shared>>) dst(%arg10 : memref<64x64xf32, #tpu.memory_space<vmem>>)
    %run_scoped3A_40 = arith.constant 313 : i32
    "tpu.region"() ({
      %run_scoped3A_46 = tpu.sem_alloc : memref<!tpu.dma_semaphore, #tpu.memory_space<semaphore_mem>>
      %dma_start3A_47 = arith.constant 0 : i32
      %dma_start3A_48 = tpu.memref_slice %arg8[%run_scoped3A_40, %dma_start3A_47] : memref<314x64xi32, #tpu.memory_space<vmem>> -> memref<1x64xi32, #tpu.memory_space<vmem>>
      %dma_start3A_49 = tpu.memref_squeeze %dma_start3A_48 : memref<1x64xi32, #tpu.memory_space<vmem>> -> memref<64xi32, #tpu.memory_space<vmem>>
      %dma_start3A_50 = arith.constant 0 : i32
      %dma_start3A_51 = arith.constant 0 : i32
      %dma_start3A_52 = tpu.memref_slice %arg13[%dma_start3A_50, %dma_start3A_51] : memref<10112x64xf32, #tpu.memory_space<vmem_shared>> -> memref<10112x64xf32, #tpu.memory_space<vmem_shared>>
      tpu.enqueue_indirect_dma source(%arg10 : memref<64x64xf32, #tpu.memory_space<vmem>>) target(%dma_start3A_52 : memref<10112x64xf32, #tpu.memory_space<vmem_shared>>) offsets(%dma_start3A_49 : memref<64xi32, #tpu.memory_space<vmem>>) semaphore(%run_scoped3A_46 : memref<!tpu.dma_semaphore, #tpu.memory_space<semaphore_mem>>) {add = true}
      %dma_wait3A_53 = arith.constant 0 : i32
      %dma_wait3A_54 = tpu.memref_slice %arg8[%run_scoped3A_40, %dma_wait3A_53] : memref<314x64xi32, #tpu.memory_space<vmem>> -> memref<1x64xi32, #tpu.memory_space<vmem>>
      %dma_wait3A_55 = tpu.memref_squeeze %dma_wait3A_54 : memref<1x64xi32, #tpu.memory_space<vmem>> -> memref<64xi32, #tpu.memory_space<vmem>>
      %dma_wait3A_56 = arith.constant 0 : i32
      %dma_wait3A_57 = arith.constant 0 : i32
      %dma_wait3A_58 = tpu.memref_slice %arg13[%dma_wait3A_56, %dma_wait3A_57] : memref<10112x64xf32, #tpu.memory_space<vmem_shared>> -> memref<10112x64xf32, #tpu.memory_space<vmem_shared>>
      tpu.wait_indirect_dma semaphore(%run_scoped3A_46 : memref<!tpu.dma_semaphore, #tpu.memory_space<semaphore_mem>>) src(%arg10 : memref<64x64xf32, #tpu.memory_space<vmem>>) dst(%dma_wait3A_58 : memref<10112x64xf32, #tpu.memory_space<vmem_shared>>)
      tpu.yield
    }) : () -> ()
    %barrier3A_41 = arith.constant 0 : index
    tpu.barrier barrier_id(%barrier3A_41)
    %mul3A_42 = arith.constant 632 : i32
    %mul3A_43 = arith.muli %arg1, %mul3A_42 : i32
    %mul3A_44 = arith.constant 632 : i32
    %mul3A_45 = arith.muli %arg1, %mul3A_44 : i32
    "tpu.region"() ({
      %run_scoped3A_46 = tpu.sem_alloc : memref<!tpu.dma_semaphore, #tpu.memory_space<semaphore_mem>>
      %dma_start3A_47 = arith.constant 0 : i32
      %dma_start3A_48 = tpu.memref_slice %arg6[%arg0, %mul3A_45, %dma_start3A_47] : memref<2x10112x64xf32, #tpu.memory_space<hbm>> -> memref<1x632x64xf32, #tpu.memory_space<hbm>>
      %dma_start3A_49 = tpu.memref_squeeze %dma_start3A_48 : memref<1x632x64xf32, #tpu.memory_space<hbm>> -> memref<632x64xf32, #tpu.memory_space<hbm>>
      %dma_start3A_50 = arith.constant 0 : i32
      %dma_start3A_51 = tpu.memref_slice %arg13[%mul3A_43, %dma_start3A_50] : memref<10112x64xf32, #tpu.memory_space<vmem_shared>> -> memref<632x64xf32, #tpu.memory_space<vmem_shared>>
      tpu.enqueue_dma source(%dma_start3A_51 : memref<632x64xf32, #tpu.memory_space<vmem_shared>>) target(%dma_start3A_49 : memref<632x64xf32, #tpu.memory_space<hbm>>) target_semaphore(%run_scoped3A_46 : memref<!tpu.dma_semaphore, #tpu.memory_space<semaphore_mem>>)
      %dma_wait3A_52 = arith.constant 0 : i32
      %dma_wait3A_53 = tpu.memref_slice %arg6[%arg0, %mul3A_45, %dma_wait3A_52] : memref<2x10112x64xf32, #tpu.memory_space<hbm>> -> memref<1x632x64xf32, #tpu.memory_space<hbm>>
      %dma_wait3A_54 = tpu.memref_squeeze %dma_wait3A_53 : memref<1x632x64xf32, #tpu.memory_space<hbm>> -> memref<632x64xf32, #tpu.memory_space<hbm>>
      %dma_wait3A_55 = arith.constant 0 : i32
      %dma_wait3A_56 = tpu.memref_slice %arg13[%mul3A_43, %dma_wait3A_55] : memref<10112x64xf32, #tpu.memory_space<vmem_shared>> -> memref<632x64xf32, #tpu.memory_space<vmem_shared>>
      tpu.wait_dma2 semaphore(%run_scoped3A_46 : memref<!tpu.dma_semaphore, #tpu.memory_space<semaphore_mem>>) src(%dma_wait3A_56 : memref<632x64xf32, #tpu.memory_space<vmem_shared>>) dst(%dma_wait3A_54 : memref<632x64xf32, #tpu.memory_space<hbm>>)
      tpu.yield
    }) : () -> ()
    return
  }
}

module attributes {stable_mosaic.version = 14 : i64} {
  func.func @_mm0_body(%arg0: i32, %arg1: memref<632x128xf32, #tpu.memory_space<vmem>>, %arg2: memref<128x128xf32, #tpu.memory_space<vmem>>, %arg3: memref<632x128xf32, #tpu.memory_space<vmem>>) attributes {dimension_semantics = [#tpu.dimension_semantics<arbitrary>], iteration_bounds = array<i64: 16>, scalar_prefetch = 0 : i64, scratch_operands = 0 : i64, tpu.core_type = #tpu.core_type<tc>, window_params = [{transform_indices = @transform_0, window_bounds = array<i64: 632, 128>}, {pipeline_mode = #tpu.pipeline_mode<synchronous>, transform_indices = @transform_1, window_bounds = array<i64: 128, 128>}, {transform_indices = @transform_2, window_bounds = array<i64: 632, 128>}]} {
    %get3A = arith.constant 0 : index
    %get3A_0 = arith.constant 0 : index
    %get3A_1 = vector.load %arg1[%get3A, %get3A_0] : memref<632x128xf32, #tpu.memory_space<vmem>>, vector<632x128xf32>
    %get3A_2 = arith.constant 0 : index
    %get3A_3 = arith.constant 0 : index
    %get3A_4 = vector.load %arg2[%get3A_2, %get3A_3] : memref<128x128xf32, #tpu.memory_space<vmem>>, vector<128x128xf32>
    %dot_general3A = arith.constant dense<0.000000e+00> : vector<632x128xf32>
    %dot_general3A_5 = tpu.matmul %get3A_1, %get3A_4, %dot_general3A {dimension_numbers = #tpu.dot_dimension_numbers<[1], [0], [0], [1], [0, 0, 1, 1], [], []>, transpose_lhs_hint = false} : vector<632x128xf32>, vector<128x128xf32>, vector<632x128xf32> -> vector<632x128xf32>
    %swap3A = arith.constant 0 : index
    %swap3A_6 = arith.constant 0 : index
    %swap3A_7 = vector.load %arg3[%swap3A, %swap3A_6] : memref<632x128xf32, #tpu.memory_space<vmem>>, vector<632x128xf32>
    tpu.vector_store %arg3[%swap3A, %swap3A_6], %dot_general3A_5 {strides = array<i32>} : memref<632x128xf32, #tpu.memory_space<vmem>>, vector<632x128xf32>,
    return
  }
  func.func @transform_0(%arg0: i32) -> (i32, i32) {
    %c0_i32 = arith.constant 0 : i32
    %c0_i32_0 = arith.constant 0 : i32
    return %arg0, %c0_i32 : i32, i32
  }
  func.func @transform_1(%arg0: i32) -> (i32, i32) {
    %c0_i32 = arith.constant 0 : i32
    %c0_i32_0 = arith.constant 0 : i32
    %c0_i32_1 = arith.constant 0 : i32
    return %c0_i32, %c0_i32_0 : i32, i32
  }
  func.func @transform_2(%arg0: i32) -> (i32, i32) {
    %c0_i32 = arith.constant 0 : i32
    %c0_i32_0 = arith.constant 0 : i32
    return %arg0, %c0_i32 : i32, i32
  }
}

module attributes {stable_mosaic.version = 14 : i64} {
  func.func @_scale_body(%arg0: i32, %arg1: memref<632x128xf32, #tpu.memory_space<vmem>>, %arg2: memref<1x2x632x8xf32, #tpu.memory_space<vmem>>, %arg3: memref<632x128xf32, #tpu.memory_space<vmem>>) attributes {dimension_semantics = [#tpu.dimension_semantics<arbitrary>], iteration_bounds = array<i64: 16>, scalar_prefetch = 0 : i64, scratch_operands = 0 : i64, tpu.core_type = #tpu.core_type<tc>, window_params = [{transform_indices = @transform_0, window_bounds = array<i64: 632, 128>}, {transform_indices = @transform_1, window_bounds = array<i64: 1, 2, 632, 8>}, {transform_indices = @transform_2, window_bounds = array<i64: 632, 128>}]} {
    %get3A = arith.constant 0 : index
    %get3A_0 = arith.constant 0 : index
    %get3A_1 = vector.load %arg1[%get3A, %get3A_0] : memref<632x128xf32, #tpu.memory_space<vmem>>, vector<632x128xf32>
    %get3A_2 = arith.constant 0 : index
    %get3A_3 = arith.constant 0 : index
    %get3A_4 = arith.constant 0 : index
    %get3A_5 = arith.constant 0 : index
    %get3A_6 = vector.load %arg2[%get3A_2, %get3A_3, %get3A_4, %get3A_5] : memref<1x2x632x8xf32, #tpu.memory_space<vmem>>, vector<1x2x632x1xf32>
    %get3A_7 = vector.shape_cast %get3A_6 : vector<1x2x632x1xf32> to vector<2x632x1xf32>
    %reduce_sum3A = arith.constant dense<0.000000e+00> : vector<632x1xf32>
    %reduce_sum3A_8 = vector.multi_reduction <add>, %get3A_7, %reduce_sum3A [0] : vector<2x632x1xf32> to vector<632x1xf32>
    %gt3A = arith.constant 0.000000e+00 : f32
    %gt3A_9 = vector.broadcast %gt3A : f32 to vector<632x1xf32>
    %gt3A_10 = arith.cmpf ogt, %reduce_sum3A_8, %gt3A_9 : vector<632x1xf32>
    %rsqrt3A = math.rsqrt %reduce_sum3A_8 : vector<632x1xf32>
    %jit3A = arith.constant 0.000000e+00 : f32
    %broadcast_in_dim3A = vector.broadcast %jit3A : f32 to vector<632x1xf32>
    %select_n3A = arith.select %gt3A_10, %rsqrt3A, %broadcast_in_dim3A : vector<632x1xi1>, vector<632x1xf32>
    %mul3A = vector.broadcast %select_n3A : vector<632x1xf32> to vector<632x128xf32>
    %mul3A_11 = arith.mulf %get3A_1, %mul3A : vector<632x128xf32>
    %swap3A = arith.constant 0 : index
    %swap3A_12 = arith.constant 0 : index
    %swap3A_13 = vector.load %arg3[%swap3A, %swap3A_12] : memref<632x128xf32, #tpu.memory_space<vmem>>, vector<632x128xf32>
    tpu.vector_store %arg3[%swap3A, %swap3A_12], %mul3A_11 {strides = array<i32>} : memref<632x128xf32, #tpu.memory_space<vmem>>, vector<632x128xf32>,
    return
  }
  func.func @transform_0(%arg0: i32) -> (i32, i32) {
    %c0_i32 = arith.constant 0 : i32
    %c0_i32_0 = arith.constant 0 : i32
    return %arg0, %c0_i32 : i32, i32
  }
  func.func @transform_1(%arg0: i32) -> (i32, i32, i32, i32) {
    %c0_i32 = arith.constant 0 : i32
    %c0_i32_0 = arith.constant 0 : i32
    %c0_i32_1 = arith.constant 0 : i32
    %c0_i32_2 = arith.constant 0 : i32
    return %c0_i32, %c0_i32_0, %arg0, %c0_i32_1 : i32, i32, i32, i32
  }
  func.func @transform_2(%arg0: i32) -> (i32, i32) {
    %c0_i32 = arith.constant 0 : i32
    %c0_i32_0 = arith.constant 0 : i32
    return %arg0, %c0_i32 : i32, i32
  }
}

module attributes {stable_mosaic.version = 14 : i64} {
  func.func @_mm2_body(%arg0: i32, %arg1: memref<1x632x64xf32, #tpu.memory_space<vmem>>, %arg2: memref<1x632x64xf32, #tpu.memory_space<vmem>>, %arg3: memref<1x2x632x8xf32, #tpu.memory_space<vmem>>, %arg4: memref<64x48xf32, #tpu.memory_space<vmem>>, %arg5: memref<64x48xf32, #tpu.memory_space<vmem>>, %arg6: memref<632x48xf32, #tpu.memory_space<vmem>>) attributes {dimension_semantics = [#tpu.dimension_semantics<arbitrary>], iteration_bounds = array<i64: 16>, scalar_prefetch = 0 : i64, scratch_operands = 0 : i64, tpu.core_type = #tpu.core_type<tc>, window_params = [{transform_indices = @transform_0, window_bounds = array<i64: 1, 632, 64>}, {transform_indices = @transform_1, window_bounds = array<i64: 1, 632, 64>}, {transform_indices = @transform_2, window_bounds = array<i64: 1, 2, 632, 8>}, {pipeline_mode = #tpu.pipeline_mode<synchronous>, transform_indices = @transform_3, window_bounds = array<i64: 64, 48>}, {pipeline_mode = #tpu.pipeline_mode<synchronous>, transform_indices = @transform_4, window_bounds = array<i64: 64, 48>}, {transform_indices = @transform_5, window_bounds = array<i64: 632, 48>}]} {
    %get3A = arith.constant 0 : index
    %get3A_0 = arith.constant 0 : index
    %get3A_1 = arith.constant 0 : index
    %get3A_2 = arith.constant 0 : index
    %get3A_3 = vector.load %arg3[%get3A, %get3A_0, %get3A_1, %get3A_2] : memref<1x2x632x8xf32, #tpu.memory_space<vmem>>, vector<1x2x632x1xf32>
    %get3A_4 = vector.shape_cast %get3A_3 : vector<1x2x632x1xf32> to vector<2x632x1xf32>
    %reduce_sum3A = arith.constant dense<0.000000e+00> : vector<632x1xf32>
    %reduce_sum3A_5 = vector.multi_reduction <add>, %get3A_4, %reduce_sum3A [0] : vector<2x632x1xf32> to vector<632x1xf32>
    %gt3A = arith.constant 0.000000e+00 : f32
    %gt3A_6 = vector.broadcast %gt3A : f32 to vector<632x1xf32>
    %gt3A_7 = arith.cmpf ogt, %reduce_sum3A_5, %gt3A_6 : vector<632x1xf32>
    %rsqrt3A = math.rsqrt %reduce_sum3A_5 : vector<632x1xf32>
    %jit3A = arith.constant 0.000000e+00 : f32
    %broadcast_in_dim3A = vector.broadcast %jit3A : f32 to vector<632x1xf32>
    %select_n3A = arith.select %gt3A_7, %rsqrt3A, %broadcast_in_dim3A : vector<632x1xi1>, vector<632x1xf32>
    %get3A_8 = arith.constant 0 : index
    %get3A_9 = arith.constant 0 : index
    %get3A_10 = arith.constant 0 : index
    %get3A_11 = vector.load %arg1[%get3A_8, %get3A_9, %get3A_10] : memref<1x632x64xf32, #tpu.memory_space<vmem>>, vector<1x632x64xf32>
    %get3A_12 = vector.shape_cast %get3A_11 : vector<1x632x64xf32> to vector<632x64xf32>
    %mul3A = vector.broadcast %select_n3A : vector<632x1xf32> to vector<632x64xf32>
    %mul3A_13 = arith.mulf %get3A_12, %mul3A : vector<632x64xf32>
    %get3A_14 = arith.constant 0 : index
    %get3A_15 = arith.constant 0 : index
    %get3A_16 = arith.constant 0 : index
    %get3A_17 = vector.load %arg2[%get3A_14, %get3A_15, %get3A_16] : memref<1x632x64xf32, #tpu.memory_space<vmem>>, vector<1x632x64xf32>
    %get3A_18 = vector.shape_cast %get3A_17 : vector<1x632x64xf32> to vector<632x64xf32>
    %mul3A_19 = vector.broadcast %select_n3A : vector<632x1xf32> to vector<632x64xf32>
    %mul3A_20 = arith.mulf %get3A_18, %mul3A_19 : vector<632x64xf32>
    %get3A_21 = arith.constant 0 : index
    %get3A_22 = arith.constant 0 : index
    %get3A_23 = vector.load %arg4[%get3A_21, %get3A_22] : memref<64x48xf32, #tpu.memory_space<vmem>>, vector<64x48xf32>
    %dot_general3A = arith.constant dense<0.000000e+00> : vector<632x48xf32>
    %dot_general3A_24 = tpu.matmul %mul3A_13, %get3A_23, %dot_general3A {dimension_numbers = #tpu.dot_dimension_numbers<[1], [0], [0], [1], [0, 0, 1, 1], [], []>, transpose_lhs_hint = false} : vector<632x64xf32>, vector<64x48xf32>, vector<632x48xf32> -> vector<632x48xf32>
    %get3A_25 = arith.constant 0 : index
    %get3A_26 = arith.constant 0 : index
    %get3A_27 = vector.load %arg5[%get3A_25, %get3A_26] : memref<64x48xf32, #tpu.memory_space<vmem>>, vector<64x48xf32>
    %dot_general3A_28 = arith.constant dense<0.000000e+00> : vector<632x48xf32>
    %dot_general3A_29 = tpu.matmul %mul3A_20, %get3A_27, %dot_general3A_28 {dimension_numbers = #tpu.dot_dimension_numbers<[1], [0], [0], [1], [0, 0, 1, 1], [], []>, transpose_lhs_hint = false} : vector<632x64xf32>, vector<64x48xf32>, vector<632x48xf32> -> vector<632x48xf32>
    %add3A = arith.addf %dot_general3A_24, %dot_general3A_29 : vector<632x48xf32>
    %mul3A_30 = vector.broadcast %select_n3A : vector<632x1xf32> to vector<632x48xf32>
    %mul3A_31 = arith.mulf %add3A, %mul3A_30 : vector<632x48xf32>
    %swap3A = arith.constant 0 : index
    %swap3A_32 = arith.constant 0 : index
    %swap3A_33 = vector.load %arg6[%swap3A, %swap3A_32] : memref<632x48xf32, #tpu.memory_space<vmem>>, vector<632x48xf32>
    tpu.vector_store %arg6[%swap3A, %swap3A_32], %mul3A_31 {strides = array<i32>} : memref<632x48xf32, #tpu.memory_space<vmem>>, vector<632x48xf32>,
    return
  }
  func.func @transform_0(%arg0: i32) -> (i32, i32, i32) {
    %c0_i32 = arith.constant 0 : i32
    %c0_i32_0 = arith.constant 0 : i32
    %c0_i32_1 = arith.constant 0 : i32
    return %c0_i32, %arg0, %c0_i32_0 : i32, i32, i32
  }
  func.func @transform_1(%arg0: i32) -> (i32, i32, i32) {
    %c1_i32 = arith.constant 1 : i32
    %c0_i32 = arith.constant 0 : i32
    %c0_i32_0 = arith.constant 0 : i32
    return %c1_i32, %arg0, %c0_i32 : i32, i32, i32
  }
  func.func @transform_2(%arg0: i32) -> (i32, i32, i32, i32) {
    %c0_i32 = arith.constant 0 : i32
    %c0_i32_0 = arith.constant 0 : i32
    %c0_i32_1 = arith.constant 0 : i32
    %c0_i32_2 = arith.constant 0 : i32
    return %c0_i32, %c0_i32_0, %arg0, %c0_i32_1 : i32, i32, i32, i32
  }
  func.func @transform_3(%arg0: i32) -> (i32, i32) {
    %c0_i32 = arith.constant 0 : i32
    %c0_i32_0 = arith.constant 0 : i32
    %c0_i32_1 = arith.constant 0 : i32
    return %c0_i32, %c0_i32_0 : i32, i32
  }
  func.func @transform_4(%arg0: i32) -> (i32, i32) {
    %c0_i32 = arith.constant 0 : i32
    %c0_i32_0 = arith.constant 0 : i32
    %c0_i32_1 = arith.constant 0 : i32
    return %c0_i32, %c0_i32_0 : i32, i32
  }
  func.func @transform_5(%arg0: i32) -> (i32, i32) {
    %c0_i32 = arith.constant 0 : i32
    %c0_i32_0 = arith.constant 0 : i32
    return %arg0, %c0_i32 : i32, i32
  }
}

module attributes {stable_mosaic.version = 14 : i64} {
  func.func @_fin_body(%arg0: i32, %arg1: memref<2x632x48xf32, #tpu.memory_space<vmem>>, %arg2: memref<1x2x632x8xf32, #tpu.memory_space<vmem>>, %arg3: memref<632x40xf32, #tpu.memory_space<vmem>>) attributes {dimension_semantics = [#tpu.dimension_semantics<arbitrary>], iteration_bounds = array<i64: 16>, scalar_prefetch = 0 : i64, scratch_operands = 0 : i64, tpu.core_type = #tpu.core_type<tc>, window_params = [{transform_indices = @transform_0, window_bounds = array<i64: 2, 632, 48>}, {transform_indices = @transform_1, window_bounds = array<i64: 1, 2, 632, 8>}, {transform_indices = @transform_2, window_bounds = array<i64: 632, 40>}]} {
    %get3A = arith.constant 0 : index
    %get3A_0 = arith.constant 0 : index
    %get3A_1 = arith.constant 0 : index
    %get3A_2 = arith.constant 0 : index
    %get3A_3 = vector.load %arg2[%get3A, %get3A_0, %get3A_1, %get3A_2] : memref<1x2x632x8xf32, #tpu.memory_space<vmem>>, vector<1x2x632x1xf32>
    %get3A_4 = vector.shape_cast %get3A_3 : vector<1x2x632x1xf32> to vector<2x632x1xf32>
    %reduce_sum3A = arith.constant dense<0.000000e+00> : vector<632x1xf32>
    %reduce_sum3A_5 = vector.multi_reduction <add>, %get3A_4, %reduce_sum3A [0] : vector<2x632x1xf32> to vector<632x1xf32>
    %gt3A = arith.constant 0.000000e+00 : f32
    %gt3A_6 = vector.broadcast %gt3A : f32 to vector<632x1xf32>
    %gt3A_7 = arith.cmpf ogt, %reduce_sum3A_5, %gt3A_6 : vector<632x1xf32>
    %rsqrt3A = math.rsqrt %reduce_sum3A_5 : vector<632x1xf32>
    %jit3A = arith.constant 0.000000e+00 : f32
    %broadcast_in_dim3A = vector.broadcast %jit3A : f32 to vector<632x1xf32>
    %select_n3A = arith.select %gt3A_7, %rsqrt3A, %broadcast_in_dim3A : vector<632x1xi1>, vector<632x1xf32>
    %get3A_8 = arith.constant 0 : index
    %get3A_9 = arith.constant 0 : index
    %get3A_10 = arith.constant 0 : index
    %get3A_11 = vector.load %arg1[%get3A_8, %get3A_9, %get3A_10] : memref<2x632x48xf32, #tpu.memory_space<vmem>>, vector<1x632x48xf32>
    %get3A_12 = vector.shape_cast %get3A_11 : vector<1x632x48xf32> to vector<632x48xf32>
    %get3A_13 = arith.constant 1 : index
    %get3A_14 = arith.constant 0 : index
    %get3A_15 = arith.constant 0 : index
    %get3A_16 = vector.load %arg1[%get3A_13, %get3A_14, %get3A_15] : memref<2x632x48xf32, #tpu.memory_space<vmem>>, vector<1x632x48xf32>
    %get3A_17 = vector.shape_cast %get3A_16 : vector<1x632x48xf32> to vector<632x48xf32>
    %add3A = arith.addf %get3A_12, %get3A_17 : vector<632x48xf32>
    %mul3A = vector.broadcast %select_n3A : vector<632x1xf32> to vector<632x48xf32>
    %mul3A_18 = arith.mulf %add3A, %mul3A : vector<632x48xf32>
    %slice3A = vector.extract_strided_slice %mul3A_18 {offsets = [0, 0], sizes = [632, 40], strides = [1, 1]} : vector<632x48xf32> to vector<632x40xf32>
    %reduce_max3A = arith.constant dense<0xFF800000> : vector<632xf32>
    %reduce_max3A_19 = vector.multi_reduction <maximumf>, %slice3A, %reduce_max3A [1] : vector<632x40xf32> to vector<632xf32>
    %broadcast_in_dim3A_20 = vector.shape_cast %reduce_max3A_19 : vector<632xf32> to vector<632x1xf32>
    %sub3A = vector.broadcast %broadcast_in_dim3A_20 : vector<632x1xf32> to vector<632x40xf32>
    %sub3A_21 = arith.subf %slice3A, %sub3A : vector<632x40xf32>
    %exp3A = math.exp %sub3A_21 : vector<632x40xf32>
    %reduce_sum3A_22 = arith.constant dense<0.000000e+00> : vector<632xf32>
    %reduce_sum3A_23 = vector.multi_reduction <add>, %exp3A, %reduce_sum3A_22 [1] : vector<632x40xf32> to vector<632xf32>
    %broadcast_in_dim3A_24 = vector.shape_cast %reduce_sum3A_23 : vector<632xf32> to vector<632x1xf32>
    %log3A = math.log %broadcast_in_dim3A_24 : vector<632x1xf32>
    %sub3A_25 = vector.broadcast %broadcast_in_dim3A_20 : vector<632x1xf32> to vector<632x40xf32>
    %sub3A_26 = arith.subf %slice3A, %sub3A_25 : vector<632x40xf32>
    %sub3A_27 = vector.broadcast %log3A : vector<632x1xf32> to vector<632x40xf32>
    %sub3A_28 = arith.subf %sub3A_26, %sub3A_27 : vector<632x40xf32>
    %swap3A = arith.constant 0 : index
    %swap3A_29 = arith.constant 0 : index
    %swap3A_30 = vector.load %arg3[%swap3A, %swap3A_29] : memref<632x40xf32, #tpu.memory_space<vmem>>, vector<632x40xf32>
    tpu.vector_store %arg3[%swap3A, %swap3A_29], %sub3A_28 {strides = array<i32>} : memref<632x40xf32, #tpu.memory_space<vmem>>, vector<632x40xf32>,
    return
  }
  func.func @transform_0(%arg0: i32) -> (i32, i32, i32) {
    %c0_i32 = arith.constant 0 : i32
    %c0_i32_0 = arith.constant 0 : i32
    %c0_i32_1 = arith.constant 0 : i32
    return %c0_i32, %arg0, %c0_i32_0 : i32, i32, i32
  }
  func.func @transform_1(%arg0: i32) -> (i32, i32, i32, i32) {
    %c0_i32 = arith.constant 0 : i32
    %c0_i32_0 = arith.constant 0 : i32
    %c0_i32_1 = arith.constant 0 : i32
    %c0_i32_2 = arith.constant 0 : i32
    return %c0_i32, %c0_i32_0, %arg0, %c0_i32_1 : i32, i32, i32, i32
  }
  func.func @transform_2(%arg0: i32) -> (i32, i32) {
    %c0_i32 = arith.constant 0 : i32
    %c0_i32_0 = arith.constant 0 : i32
    return %arg0, %c0_i32 : i32, i32
  }
}

</mosaic_0001>

<sc_bundles>
// kernel: kernel.12.cloned.1.call-start
scs
__scs_entry_jumppad:
0x0: {  	(pc) =	sbr.rel $0x88, $3  }
0x1: {  	(tag) =	ssettag $0x0;
	lr =	simm.s32 $0x1  }
0x2: {  	[smem:$0x3F9D] =	sst lr;
	_ =	strace $0xD0000000  }
0x3: {  	_ = 	snop  }
0x4: {  	_ = 	snop  }
0x5: {  	_ = 	snop  }
0x6: {  	_ = 	snop  }
0x7: {  	_ = 	snop  }
__scs_overlays_trampoline_lowered:
0x8: {  	[smem:$0x3FAC] =	sst s0  }
0x9: {  	[smem:$0x3FAD] =	sst s1  }
0xa: {  	[smem:$0x3FAE] =	sst s2  }
0xb: {  	[smem:$0x3FAF] =	sst s3  }
0xc: {  	[smem:$0x3FB0] =	sst s4  }
0xd: {  	[smem:$0x3FB1] =	sst s5  }
0xe: {  	[smem:$0x3FB2] =	sst s6  }
0xf: {  	[smem:$0x3FB3] =	sst s7  }
0x10: {  	[smem:$0x3FB4] =	sst s8  }
0x11: {  	[smem:$0x3FB5] =	sst s9;
	s0 =	simm.s32 @!p0 $0x0  }
0x12: {  	s1 =	sld [smem:$0x3F9B];
	s0 =	simm.s32 @p0 $0x1  }
0x13: {  	[smem:$0x3FB6] =	sst s0;
	s0 =	simm.s32 @!p1 $0x0  }
0x14: {  	s2 =	sld [smem:$0x3F9A];
	s0 =	simm.s32 @p1 $0x1  }
0x15: {  	[smem:$0x3FB7] =	sst s0;
	s0 =	simm.s32 @!p2 $0x0  }
0x16: {  	s3 =	sld [smem:$0x3FDB];
	s0 =	simm.s32 @p2 $0x1  }
0x17: {  	s4 =	simm.s32 $0x1BF5;
	[smem:$0x3FB9] =	sst s0  }
0x18: {  	s0 =	sld [smem:$0x3F9C];
	_ =	swait.ge [sflag:s4], $0x0  }
0x19: {  	s7 =	sld [smem:$0x3F9D]  }
0x1a: {  	s8 =	sadd.s32 $0xFFFFE003, lr  }
0x1b: {  	s9 =	sadd.s32 $0xFFFFFEF7, lr;
	s5 =	simm.s32 $0xFFFFFFFF;
	p2 =	slt.u32 s8, $0xFFFFF086  }
0x1c: {  	p1 =	slt.u32 s9, $0xF7A;
	s5 =	simm.s32 @!p2 $0x0  }
0x1d: {  	s5 =	simm.s32 @p1 $0x1;
	p0 =	seq.s32 s7, s2  }
0x1e: {  	s7 =	smul.u32 @!p0 $0xF7A, s2;
	p2 =	seq.s32 @!p0 s5, $0x0  }
0x1f: {  	s9 =	smul.u32 $0xF7A, s1;
	s8 =	simm.s32 @!p0 $0x1BF5;
	p2 =	por !p2, p0  }
0x20: {  	[sflag:s8] =	ssyncset.s32 @!p0 $0xFFFFF086;
	s6 =	sadd.s32 @!p0 s3, s7;
	s7 =	simm.s32 @!p0 $0x108  }
0x21: {  	s3 =	sadd.s32 s3, s9;
	s6 =	sadd.s32 @!p0 $0x88, s6;
	s7 =	simm.s32 @p2 $0x1082  }
0x22: {  	[simem:s7], [sflag:s8] =	dma.local @!p0 [hbm:s6], $0xF7A  }
0x23: {  	s9 =	sor.u32 $0xD0000000, s2;
	s6 =	simm.s32 $0x108;
	_ =	swait.ge @!p0 [sflag:s8], $0x0  }
0x24: {  	s3 =	sadd.s32 $0x88, s3;
	s6 =	simm.s32 @!p1 $0x1082;
	[sflag:s4] =	ssyncset.s32 $0xFFFFF086  }
0x25: {  	[simem:s6], [sflag:s4] =	dma.local [hbm:s3], $0xF7A  }
0x26: {  	[smem:$0x3F9D] =	sst s1;
	(tag) =	ssettag s2;
	_ =	strace s9  }
0x27: {  	s1 =	sld [smem:$0x3FAD]  }
0x28: {  	s2 =	sld [smem:$0x3FAE]  }
0x29: {  	s4 =	sld [smem:$0x3FB0]  }
0x2a: {  	p0 =	seq.s32 s5, $0x0;
	s5 =	sld [smem:$0x3FB1]  }
0x2b: {  	s6 =	sld [smem:$0x3FB2]  }
0x2c: {  	s7 =	sld [smem:$0x3FB3]  }
0x2d: {  	s3 =	simm.s32 $0x108;
	s8 =	sld [smem:$0x3FB4]  }
0x2e: {  	s3 =	simm.s32 @!p0 $0x1082;
	s9 =	sld [smem:$0x3FB5]  }
0x2f: {  	lr =	sadd.s32 s0, s3;
	s0 =	sld [smem:$0x3FAC]  }
0x30: {  	s3 =	sld [smem:$0x3FAF]  }
0x31: {  	[smem:$0x3FB8] =	sst s10  }
0x32: {  	s10 =	sld [smem:$0x3FB6];
	_ =	sdelay $0x3  }
0x33: {  	p0 =	seq.s32 s10, $0x1;
	s10 =	sld [smem:$0x3FB8];
	_ =	sdelay $0x3  }
0x34: {  	[smem:$0x3FB8] =	sst s10  }
0x35: {  	s10 =	sld [smem:$0x3FB7];
	_ =	sdelay $0x3  }
0x36: {  	p1 =	seq.s32 s10, $0x1;
	s10 =	sld [smem:$0x3FB8];
	_ =	sdelay $0x3  }
0x37: {  	[smem:$0x3FB8] =	sst s10  }
0x38: {  	s10 =	sld [smem:$0x3FB9]  }
0x39: {  	_ = 	snop;
	(pc) =	sbr.ind lr, $3  }
0x3a: {  	_ = 	snop  }
0x3b: {  	_ = 	snop  }
0x3c: {  	p2 =	seq.s32 s10, $0x1;
	s10 =	sld [smem:$0x3FB8]  }
0x3d: {  	_ =	shalt  }
0x3e: {  	_ =	shalt  }
0x3f: {  	_ =	shalt  }
0x40: {  	_ =	shalt  }
0x41: {  	_ =	shalt  }
0x42: {  	_ =	shalt  }
0x43: {  	_ =	shalt  }
0x44: {  	_ =	shalt  }
0x45: {  	_ =	shalt  }
0x46: {  	_ =	shalt  }
0x47: {  	_ =	shalt  }
0x48: {  	_ =	shalt  }
0x49: {  	_ =	shalt  }
0x4a: {  	_ =	shalt  }
0x4b: {  	_ =	shalt  }
0x4c: {  	_ =	shalt  }
0x4d: {  	_ =	shalt  }
0x4e: {  	_ =	shalt  }
0x4f: {  	_ =	shalt  }
0x50: {  	_ =	shalt  }
0x51: {  	_ =	shalt  }
0x52: {  	_ =	shalt  }
0x53: {  	_ =	shalt  }
0x54: {  	_ =	shalt  }
0x55: {  	_ =	shalt  }
0x56: {  	_ =	shalt  }
0x57: {  	_ =	shalt  }
0x58: {  	_ =	shalt  }
0x59: {  	_ =	shalt  }
0x5a: {  	_ =	shalt  }
0x5b: {  	_ =	shalt  }
0x5c: {  	_ =	shalt  }
0x5d: {  	_ =	shalt  }
0x5e: {  	_ =	shalt  }
0x5f: {  	_ =	shalt  }
0x60: {  	_ =	shalt  }
0x61: {  	_ =	shalt  }
0x62: {  	_ =	shalt  }
0x63: {  	_ =	shalt  }
0x64: {  	_ =	shalt  }
0x65: {  	_ =	shalt  }
0x66: {  	_ =	shalt  }
0x67: {  	_ =	shalt  }
0x68: {  	_ =	shalt  }
0x69: {  	_ =	shalt  }
0x6a: {  	_ =	shalt  }
0x6b: {  	_ =	shalt  }
0x6c: {  	_ =	shalt  }
0x6d: {  	_ =	shalt  }
0x6e: {  	_ =	shalt  }
0x6f: {  	_ =	shalt  }
0x70: {  	_ =	shalt  }
0x71: {  	_ =	shalt  }
0x72: {  	_ =	shalt  }
0x73: {  	_ =	shalt  }
0x74: {  	_ =	shalt  }
0x75: {  	_ =	shalt  }
0x76: {  	_ =	shalt  }
0x77: {  	_ =	shalt  }
0x78: {  	_ =	shalt  }
0x79: {  	_ =	shalt  }
0x7a: {  	_ =	shalt  }
0x7b: {  	_ =	shalt  }
0x7c: {  	_ =	shalt  }
0x7d: {  	_ =	shalt  }
0x7e: {  	_ =	shalt  }
0x7f: {  	_ =	shalt  }
0x80: {  	_ =	shalt  }
0x81: {  	_ =	shalt  }
0x82: {  	_ =	shalt  }
0x83: {  	_ =	shalt  }
0x84: {  	_ =	shalt  }
0x85: {  	_ =	shalt  }
0x86: {  	_ =	shalt  }
0x87: {  	_ =	shalt  }
.Lfunc_end0:
.L_simem_size_0:
called_computation.1_lowered:
.L_overlay_start_0:
0x88: {  	s2 =	sld [smem:$0x3FD9]  }
0x89: {  	s3 =	sld [smem:$0x3FFE];
	_ =	sdelay $0x1  }
0x8a: {  	s1 =	srdreg.scid  }
0x8b: {  	s0 =	sand.u32 $0x1, s1  }
0x8c: {  	s16 =	sshll.u32 s0, $0xA;
	s2 =	sadd.s32 s3, s2  }
0x8d: {  	s2 =	sadd.s32 s2, s16  }
0x8e: {  	[smem:$0x3FC4] =	sst s2  }
0x8f: {  	_ = 	snop  }
0x90: {  	(tm) =	ssettm $0x1  }
0x91: {  	s17 =	sld [smem:$0x3FFB];
	_ =	sdelay $0x3  }
0x92: {  	_ =	strace s17  }
0x93: {  	s2 =	sld [smem:$0x3FFC];
	_ =	sdelay $0x3  }
0x94: {  	_ =	strace s2  }
0x95: {  	s2 =	sld [smem:$0x3FFD];
	_ =	sdelay $0x3  }
0x96: {  	_ =	strace s2  }
0x97: {  	_ =	strace $0x8FFFFFFF  }
0x98: {  	s18 =	sld [smem:$0x3FDB];
	_ =	sdelay $0x1  }
0x99: {  	s19 =	simm.s32 $_scs_section_size  }
0x9a: {  	s4 =	simm.s32 $_size__tile_overlayer_lowered;
	s5 =	simm.s32 $_tile_overlayer_lowered  }
0x9b: {  	s22 =	simm.s32 $0x1BFF;
	s21 =	sshll.u32 s5, $0x1;
	s2 =	sadd.s32 s19, s18  }
0x9c: {  	s6 =	simm.s32 $0x0;
	s20 =	sshll.u32 s4, $0x1;
	s4 =	sadd.s32 s21, s2  }
0x9d: {  	[timem:s6], [sflag:s22] =	dma.local [hbm:s4], s20  }
0x9e: {  	_ =	swait.ge [sflag:s22], s20  }
0x9f: {  	s3 =	ssub.s32 $0x0, s20;
	[sflag:s22] =	ssyncset.done $0x0  }
0xa0: {  	[sflag:s22] =	ssyncadd.s32 s3;
	_ =	sdelay $0x1  }
0xa1: {  	s23 =	simm.s32 $0x1B8B  }
0xa2: {  	_ =	swait.ge [sflag:s23], $0x1  }
0xa3: {  	[sflag:s23] =	ssyncset.done $0x0  }
0xa4: {  	s25 =	simm.s32 $0x1B8E;
	s24 =	sld [smem:$0x3FFE];
	[sflag:s23] =	ssyncadd.s32 $0xFFFFFFFF  }
0xa5: {  	s26 =	simm.s32 $execute0_lowered;
	[smem:$0x3FD2] =	sst s25  }
0xa6: {  	s4 =	sshll.u32 s26, $0x1;
	_ =	strace $0x80000049;
	[dreg:$0x1] =	wrdreg $0xFFFFFFFF  }
0xa7: {  	s28 =	simm.s32 $_size_execute0_lowered;
	s2 =	sadd.s32 s2, s4;
	[dreg:$0x0] =	wrdreg $0x0  }
0xa8: {  	s4 =	sshll.u32 s28, $0x1;
	[dreg:$0x2] =	wrdreg s2  }
0xa9: {  	[dreg:$0x3] =	wrdreg s4  }
0xaa: {  	[dreg:$0x4] =	wrdreg $0xC0  }
0xab: {  	_ =	task [dreg:s6], $0x5FFFF  }
0xac: {  	[dreg:$0x1] =	wrdreg $0xFFFFFFFF  }
0xad: {  	[dreg:$0x0] =	wrdreg $0x60  }
0xae: {  	[dreg:$0x2] =	wrdreg s24  }
0xaf: {  	[dreg:$0x3] =	wrdreg $0xBD000  }
0xb0: {  	[dreg:$0x4] =	wrdreg $0x15B000  }
0xb1: {  	[dreg:$0x5] =	wrdreg $0x9  }
0xb2: {  	_ =	task.clear_ibuf [dreg:s6], $0x6FFFF;
	_ =	strace $0x90000049  }
0xb3: {  	s29 =	simm.s32 $0x9;
	_ =	strace $0x8000004B  }
0xb4: {  	_ =	swait.ge [sflag:s29], $0x1  }
0xb5: {  	[sflag:s29] =	ssyncadd.s32 $0xFFFFFFFF  }
0xb6: {  	_ =	strace $0x9000004B  }
0xb7: {  	_ =	sfence  }
0xb8: {  	s30 =	sld [smem:$0x0];
	_ =	sdelay $0x2  }
0xb9: {  	s31 =	sshll.u32 s1, $0xD;
	s1 =	sshrl.u32 s1, $0x2  }
0xba: {  	s3 =	sand.u32 $0x4000, s31;
	s1 =	sadd.s32 s1, s30  }
0xbb: {  	s0 =	sor.u32 s3, s0;
	s1 =	sshll.u32 s1, $0x11  }
0xbc: {  	s0 =	sor.u32 s1, s0  }
0xbd: {  	s0 =	sadd.s32 $0x8F2B, s0  }
0xbe: {  	[sflag:s0] =	ssyncadd.remote.s32 $0x1  }
0xbf: {  	_ =	sfence.sel $0xFFFF  }
0xc0: {  	[dreg:$0x0] =	wrdreg $0xFFFFFFFF;
	(pc) =	sbr.abs _section_cstart, $3  }
0xc1: {  	[dreg:$0x1] =	wrdreg $0xFFFFFFFF  }
0xc2: {  	_ =	task.clear_ibuf [dreg:s6], $0x2FFFF;
	_ =	strace $0x9FFFFFFF  }
0xc3: {  	(tm) =	ssettm $0x7FFFFFFF  }
tec
execute0_lowered:
.L_overlay_start_1:
0x0: {  	(tag) =	ssettag $0x1  }
0x1: {  	s5 =	rddreg [dreg:$0x0]  }
0x2: {  	s2 =	rddreg [dreg:$0x1];
	s1 =	srdreg.scid  }
0x3: {  	s0 =	stileid.u32;
	s3 =	rddreg [dreg:$0x2];
	s4 =	simm.s32 $0x0  }
0x4: {  	s16 =	simm.s32 $0x1;
	s17 =	simm.s32 $0x8;
	s18 =	simm.s32 $0x10  }
0x5: {  	s19 =	simm.s32 $0x40;
	s20 =	simm.s32 $0x9D00;
	s21 =	simm.s32 $0xAD00  }
0x6: {  	s22 =	simm.s32 $0x2;
	s23 =	simm.s32 $0x4E40;
	s7 =	smul.u32 $0x13C00, s0  }
0x7: {  	s24 =	simm.s32 $0x9C80;
	s25 =	simm.s32 $0x9CC0;
	s9 =	smul.u32 $0x9D0, s0  }
0x8: {  	s26 =	simm.s32 $0x0;
	s6 =	sand.u32 $0x1, s1;
	s29 =	smul.u32 $0x9E00, s0  }
0x9: {  	[smem:$0x7FF] =	sst s4;
	s13 =	sshll.u32 s0, $0x6;
	s8 =	sshll.u32 s6, $0x6  }
0xa: {  	s10 =	smul.u32 $0x9E000, s6;
	_ =	strace $0x8000004A;
	s6 =	ssub.s32 $0x2, s6  }
0xb: {  	s13 =	sor.u32 $0x1C03, s13;
	s7 =	sor.u32 s8, s7;
	s30 =	sadd.s32 s9, s5  }
0xc: {  	s31 =	sshrl.u32 s29, $0x3;
	s12 =	sshrl.u32 s6, $0x1;
	s14 =	sadd.s32 s29, s2  }
0xd: {  	s15 =	sadd.s32 s29, s3;
	s7 =	sshrl.u32 s7, $0x3;
	s10 =	sadd.s32 s29, s10  }
0xe: {  	s9 =	sadd.s32 s31, s5;
	s12 =	ssub.s32 s6, s12;
	s6 =	sadd.s32 $0x9000, s30  }
0xf: {  	s14 =	sshrl.u32 s14, $0x3;
	s15 =	sshrl.u32 s15, $0x3;
	s10 =	sshrl.u32 s10, $0x3  }
0x10: {  	s11 =	sadd.s32 s7, s5;
	s7 =	sadd.s32 $0x93400, s9;
	s10 =	sadd.s32 s10, s5  }
0x11: {  	s5 =	sadd.s32 $0x12E00, s30;
	s8 =	sadd.s32 $0x6BC00, s11;
	s11 =	simm.s32 $0x3  }
0x12: {  	s9 =	sadd.s32 $0xA7000, s10;
	s10 =	smax.u32 s12, $0x1;
	s12 =	simm.s32 $0x4E80  }
.LBB2_1:
0x13: {  	[tilespmem:s4], [sflag:$0x3] =	stream.linear.gather [hbm4b:s5+s4], $0x4E80, $0x38;
	[tilespmem:$0x1F900] =	vst v63  }
0x14: {  	_ =	swait.ge [sflag:s11], $0x4E80  }
0x15: {  	[sflag:s11] =	ssyncset.done $0x0  }
0x16: {  	[sflag:s11] =	ssyncadd.s32 $0xFFFFB180  }
0x17: {  	[tilespmem:s12], [sflag:$0x3] =	stream.linear.gather [hbm4b:s6+s4], $0x4E80, $0x38;
	[tilespmem:$0x1F900] =	vst v63  }
0x18: {  	_ =	swait.ge [sflag:s11], $0x4E80  }
0x19: {  	[sflag:s11] =	ssyncset.done $0x0  }
0x1a: {  	[sflag:s11] =	ssyncadd.s32 $0xFFFFB180  }
0x1b: {  	[spmem:s14], [sflag:s13] =	dma.local [hbm:s7], $0x13C0  }
0x1c: {  	_ =	swait.ge [sflag:s11], $0x13C0  }
0x1d: {  	[sflag:s11] =	ssyncset.done $0x0  }
0x1e: {  	[sflag:s11] =	ssyncadd.s32 $0xFFFFEC40  }
0x1f: {  	[spmem:s15@s17], [sflag:s13] =	dma.strided [hbm:s8@s18], $0x13C0, s16, $0x8   }
0x20: {  	_ =	swait.ge [sflag:s11], $0x13C0  }
0x21: {  	[sflag:s11] =	ssyncset.done $0x0  }
0x22: {  	[sflag:s11] =	ssyncadd.s32 $0xFFFFEC40  }
0x23: {  	[bflag:$0x0] =	sbarrier.arrive $0xFFFF  }
0x24: {  	[tilespmem:s20], [sflag:$0x1] =	stream.indirect.gather [spmem:s3], $0x40, s4, s19, $0xb8;
	[tilespmem:$0x1F900] =	vst v63  }
0x25: {  	s28 =	simm.s32 $0x40  }
0x26: {  	[tilespmem:s21], [sflag:$0x2] =	stream.indirect.gather [spmem:s3], $0x40, s28, s19, $0xb8;
	[tilespmem:$0x1F900] =	vst v63  }
0x27: {  	_ =	swait.ge [sflag:s16], $0x1000  }
0x28: {  	[sflag:s16] =	ssyncset.done $0x0  }
0x29: {  	s28 =	simm.s32 $0x4E80;
	[sflag:s16] =	ssyncadd.s32 $0xFFFFF000  }
0x2a: {  	[spmem:s2] =	stream.indirect.scatter.add.f32 [tilespmem:s20], [sflag:$0x3], $0x40, s28, s19, $0xb8;
	[tilespmem:$0x1F900] =	vst v63  }
0x2b: {  	_ =	swait.ge [sflag:s11], $0x1000  }
0x2c: {  	[sflag:s11] =	ssyncset.done $0x0  }
0x2d: {  	s28 =	simm.s32 $0x80;
	[sflag:s11] =	ssyncadd.s32 $0xFFFFF000  }
0x2e: {  	[tilespmem:s20], [sflag:$0x1] =	stream.indirect.gather [spmem:s3], $0x40, s28, s19, $0xb8;
	[tilespmem:$0x1F900] =	vst v63  }
0x2f: {  	_ =	swait.ge [sflag:s22], $0x1000  }
0x30: {  	[sflag:s22] =	ssyncset.done $0x0  }
0x31: {  	s28 =	simm.s32 $0x4EC0;
	[sflag:s22] =	ssyncadd.s32 $0xFFFFF000  }
0x32: {  	[spmem:s2] =	stream.indirect.scatter.add.f32 [tilespmem:s21], [sflag:$0x3], $0x40, s28, s19, $0xb8;
	[tilespmem:$0x1F900] =	vst v63  }
0x33: {  	_ =	swait.ge [sflag:s11], $0x1000  }
0x34: {  	s29 =	simm.s32 $0x400;
	s28 =	simm.s32 $0x80;
	[sflag:s11] =	ssyncset.done $0x0  }
.LBB2_2:
0x35: {  	s30 =	sadd.s32 $0x40, s28  }
0x36: {  	[sflag:s11] =	ssyncadd.s32 $0xFFFFF000;
	s31 =	smov.u32 s29;
	s1 =	sadd.s32 $0x200, s29  }
0x37: {  	[tilespmem:s21], [sflag:$0x2] =	stream.indirect.gather [spmem:s3], $0x40, s30, s19, $0xb8;
	[tilespmem:$0x1F900] =	vst v63  }
0x38: {  	p0 =	sne.s32 s29, $0x13600;
	_ =	swait.ge [sflag:s16], $0x1000  }
0x39: {  	[sflag:s16] =	ssyncset.done $0x0  }
0x3a: {  	s29 =	sadd.s32 $0x4E80, s28;
	[sflag:s16] =	ssyncadd.s32 $0xFFFFF000  }
0x3b: {  	[spmem:s2] =	stream.indirect.scatter.add.f32 [tilespmem:s20], [sflag:$0x3], $0x40, s29, s19, $0xb8;
	[tilespmem:$0x1F900] =	vst v63  }
0x3c: {  	_ =	swait.ge [sflag:s11], $0x1000  }
0x3d: {  	[sflag:s11] =	ssyncset.done $0x0  }
0x3e: {  	s29 =	sadd.s32 $0x80, s28;
	[sflag:s11] =	ssyncadd.s32 $0xFFFFF000  }
0x3f: {  	[tilespmem:s20], [sflag:$0x1] =	stream.indirect.gather [spmem:s3], $0x40, s29, s19, $0xb8;
	[tilespmem:$0x1F900] =	vst v63  }
0x40: {  	_ =	swait.ge [sflag:s22], $0x1000  }
.Ltmp0:
0x41: {  	[sflag:s22] =	ssyncset.done $0x0;
	(pc) =	sbr.rel @p0 .LBB2_2-.Ltmp0, $4  }
0x42: {  	s28 =	sadd.s32 $0x4EC0, s28;
	[sflag:s22] =	ssyncadd.s32 $0xFFFFF000  }
0x43: {  	[spmem:s2] =	stream.indirect.scatter.add.f32 [tilespmem:s21], [sflag:$0x3], $0x40, s28, s19, $0xb8;
	[tilespmem:$0x1F900] =	vst v63  }
0x44: {  	_ =	swait.ge [sflag:s11], $0x1000  }
0x45: {  	s29 =	smov.u32 s1;
	s28 =	sshra.s32 s31, $0x2;
	[sflag:s11] =	ssyncset.done $0x0  }
0x46: {  	s1 =	sadd.s32 $0x40, s28;
	[sflag:s11] =	ssyncadd.s32 $0xFFFFF000  }
0x47: {  	[tilespmem:s21], [sflag:$0x2] =	stream.indirect.gather [spmem:s3], $0x40, s1, s19, $0xb8;
	[tilespmem:$0x1F900] =	vst v63  }
0x48: {  	_ =	swait.ge [sflag:s16], $0x1000  }
0x49: {  	[sflag:s16] =	ssyncset.done $0x0  }
0x4a: {  	s29 =	sadd.s32 $0x4E80, s28;
	[sflag:s16] =	ssyncadd.s32 $0xFFFFF000  }
0x4b: {  	[spmem:s2] =	stream.indirect.scatter.add.f32 [tilespmem:s20], [sflag:$0x3], $0x40, s29, s19, $0xb8;
	[tilespmem:$0x1F900] =	vst v63  }
0x4c: {  	_ =	swait.ge [sflag:s11], $0x1000  }
0x4d: {  	[sflag:s11] =	ssyncset.done $0x0  }
0x4e: {  	s30 =	sadd.s32 $0x80, s28;
	[sflag:s11] =	ssyncadd.s32 $0xFFFFF000  }
0x4f: {  	[tilespmem:s20], [sflag:$0x1] =	stream.indirect.gather [spmem:s3], $0x40, s30, s19, $0xb8;
	[tilespmem:$0x1F900] =	vst v63  }
0x50: {  	_ =	swait.ge [sflag:s22], $0x1000  }
0x51: {  	[sflag:s22] =	ssyncset.done $0x0  }
0x52: {  	s31 =	sadd.s32 $0x4EC0, s28;
	[sflag:s22] =	ssyncadd.s32 $0xFFFFF000  }
0x53: {  	[spmem:s2] =	stream.indirect.scatter.add.f32 [tilespmem:s21], [sflag:$0x3], $0x40, s31, s19, $0xb8;
	[tilespmem:$0x1F900] =	vst v63  }
0x54: {  	_ =	swait.ge [sflag:s11], $0x1000  }
0x55: {  	[sflag:s11] =	ssyncset.done $0x0  }
0x56: {  	[sflag:s11] =	ssyncadd.s32 $0xFFFFF000  }
0x57: {  	[tilespmem:s21], [sflag:$0x2] =	stream.indirect.gather [spmem:s3], $0x40, s23, s19, $0xb8;
	[tilespmem:$0x1F900] =	vst v63  }
0x58: {  	_ =	swait.ge [sflag:s16], $0x1000  }
0x59: {  	[sflag:s16] =	ssyncset.done $0x0  }
0x5a: {  	[sflag:s16] =	ssyncadd.s32 $0xFFFFF000  }
0x5b: {  	[spmem:s2] =	stream.indirect.scatter.add.f32 [tilespmem:s20], [sflag:$0x3], $0x40, s24, s19, $0xb8;
	[tilespmem:$0x1F900] =	vst v63  }
0x5c: {  	_ =	swait.ge [sflag:s11], $0x1000  }
0x5d: {  	[sflag:s11] =	ssyncset.done $0x0  }
0x5e: {  	[sflag:s11] =	ssyncadd.s32 $0xFFFFF000  }
0x5f: {  	_ =	swait.ge [sflag:s22], $0x1000  }
0x60: {  	[sflag:s22] =	ssyncset.done $0x0  }
0x61: {  	[sflag:s22] =	ssyncadd.s32 $0xFFFFF000  }
0x62: {  	[spmem:s2] =	stream.indirect.scatter.add.f32 [tilespmem:s21], [sflag:$0x3], $0x40, s25, s19, $0xb8;
	[tilespmem:$0x1F900] =	vst v63  }
0x63: {  	_ =	swait.ge [sflag:s11], $0x1000  }
0x64: {  	s26 =	sadd.s32 $0x1, s26;
	[sflag:s11] =	ssyncset.done $0x0  }
0x65: {  	p0 =	sne.s32 s26, s10;
	[sflag:s11] =	ssyncadd.s32 $0xFFFFF000  }
.Ltmp1:
0x66: {  	[bflag:$0x0] =	sbarrier.arrive $0xFFFF;
	(pc) =	sbr.rel @p0 .LBB2_1-.Ltmp1, $4  }
0x67: {  	[hbm:s9], [sflag:s13] =	dma.local [spmem:s14], $0x13C0  }
0x68: {  	_ =	swait.ge [sflag:s11], $0x13C0  }
0x69: {  	[sflag:s11] =	ssyncset.done $0x0  }
0x6a: {  	[sflag:s11] =	ssyncadd.s32 $0xFFFFEC40  }
0x6b: {  	_ =	sfence.sel $0x180000  }
0x6c: {  	[bflag:$0x0] =	sbarrier.arrive $0xFFFF  }
0x6d: {  	_ =	strace $0x9000004A  }
0x6e: {  	[bflag:$0x2] =	sbarrier.arrive $0xFFFF  }
0x6f: {  	p0 =	sne.s32 s0, $0x0;
	s0 =	rddreg [dreg:$0x3]  }
0x70: {  	s0 =	sadd.s32 @!p0 $0x100000, s0  }
0x71: {  	[sflag:s0] =	ssyncadd.tile.s32 @!p0 $0x1;
	_ =	shalt  }
.Lfunc_end2:
_tile_overlayer_lowered:
.L_overlay_start_2:
0x72: {  	(tag) =	ssettag $0x2  }
0x73: {  	s0 =	rddreg [dreg:$0x0];
	s2 =	stileid.u32  }
0x74: {  	s1 =	rddreg [dreg:$0x1];
	p0 =	sne.s32 s2, $0x0  }
0x75: {  	s3 =	rddreg [dreg:$0x2];
	[bflag:$0x3] =	sbarrier.arrive $0xFFFF;
	s2 =	simm.s32 @!p0 $0x1C03  }
0x76: {  	[timem:s3], [sflag:s2] =	dma.local @!p0 [hbm:s0], s1  }
0x77: {  	s0 =	simm.s32 @!p0 $0x3  }
0x78: {  	_ =	swait.ge @!p0 [sflag:s0], s1  }
0x79: {  	s1 =	ssub.s32 @!p0 $0x0, s1;
	[sflag:s0] =	ssyncset.done @!p0 $0x0  }
0x7a: {  	[sflag:s0] =	ssyncadd.s32 @!p0 s1  }
0x7b: {  	[bflag:$0x3] =	sbarrier.arrive $0xFFFF  }
0x7c: {  	_ =	shalt  }

// kernel: kernel.15.cloned.1.call-start
scs
__scs_entry_jumppad:
0x0: {  	(pc) =	sbr.rel $0x88, $3  }
0x1: {  	(tag) =	ssettag $0x0;
	lr =	simm.s32 $0x1  }
0x2: {  	[smem:$0x3F9D] =	sst lr;
	_ =	strace $0xD0000000  }
0x3: {  	_ = 	snop  }
0x4: {  	_ = 	snop  }
0x5: {  	_ = 	snop  }
0x6: {  	_ = 	snop  }
0x7: {  	_ = 	snop  }
__scs_overlays_trampoline_lowered:
0x8: {  	[smem:$0x3FAC] =	sst s0  }
0x9: {  	[smem:$0x3FAD] =	sst s1  }
0xa: {  	[smem:$0x3FAE] =	sst s2  }
0xb: {  	[smem:$0x3FAF] =	sst s3  }
0xc: {  	[smem:$0x3FB0] =	sst s4  }
0xd: {  	[smem:$0x3FB1] =	sst s5  }
0xe: {  	[smem:$0x3FB2] =	sst s6  }
0xf: {  	[smem:$0x3FB3] =	sst s7  }
0x10: {  	[smem:$0x3FB4] =	sst s8  }
0x11: {  	[smem:$0x3FB5] =	sst s9;
	s0 =	simm.s32 @!p0 $0x0  }
0x12: {  	s1 =	sld [smem:$0x3F9B];
	s0 =	simm.s32 @p0 $0x1  }
0x13: {  	[smem:$0x3FB6] =	sst s0;
	s0 =	simm.s32 @!p1 $0x0  }
0x14: {  	s2 =	sld [smem:$0x3F9A];
	s0 =	simm.s32 @p1 $0x1  }
0x15: {  	[smem:$0x3FB7] =	sst s0;
	s0 =	simm.s32 @!p2 $0x0  }
0x16: {  	s3 =	sld [smem:$0x3FDB];
	s0 =	simm.s32 @p2 $0x1  }
0x17: {  	s4 =	simm.s32 $0x1BF5;
	[smem:$0x3FB9] =	sst s0  }
0x18: {  	s0 =	sld [smem:$0x3F9C];
	_ =	swait.ge [sflag:s4], $0x0  }
0x19: {  	s7 =	sld [smem:$0x3F9D]  }
0x1a: {  	s8 =	sadd.s32 $0xFFFFE003, lr  }
0x1b: {  	s9 =	sadd.s32 $0xFFFFFEF7, lr;
	s5 =	simm.s32 $0xFFFFFFFF;
	p2 =	slt.u32 s8, $0xFFFFF086  }
0x1c: {  	p1 =	slt.u32 s9, $0xF7A;
	s5 =	simm.s32 @!p2 $0x0  }
0x1d: {  	s5 =	simm.s32 @p1 $0x1;
	p0 =	seq.s32 s7, s2  }
0x1e: {  	s7 =	smul.u32 @!p0 $0xF7A, s2;
	p2 =	seq.s32 @!p0 s5, $0x0  }
0x1f: {  	s9 =	smul.u32 $0xF7A, s1;
	s8 =	simm.s32 @!p0 $0x1BF5;
	p2 =	por !p2, p0  }
0x20: {  	[sflag:s8] =	ssyncset.s32 @!p0 $0xFFFFF086;
	s6 =	sadd.s32 @!p0 s3, s7;
	s7 =	simm.s32 @!p0 $0x108  }
0x21: {  	s3 =	sadd.s32 s3, s9;
	s6 =	sadd.s32 @!p0 $0x88, s6;
	s7 =	simm.s32 @p2 $0x1082  }
0x22: {  	[simem:s7], [sflag:s8] =	dma.local @!p0 [hbm:s6], $0xF7A  }
0x23: {  	s9 =	sor.u32 $0xD0000000, s2;
	s6 =	simm.s32 $0x108;
	_ =	swait.ge @!p0 [sflag:s8], $0x0  }
0x24: {  	s3 =	sadd.s32 $0x88, s3;
	s6 =	simm.s32 @!p1 $0x1082;
	[sflag:s4] =	ssyncset.s32 $0xFFFFF086  }
0x25: {  	[simem:s6], [sflag:s4] =	dma.local [hbm:s3], $0xF7A  }
0x26: {  	[smem:$0x3F9D] =	sst s1;
	(tag) =	ssettag s2;
	_ =	strace s9  }
0x27: {  	s1 =	sld [smem:$0x3FAD]  }
0x28: {  	s2 =	sld [smem:$0x3FAE]  }
0x29: {  	s4 =	sld [smem:$0x3FB0]  }
0x2a: {  	p0 =	seq.s32 s5, $0x0;
	s5 =	sld [smem:$0x3FB1]  }
0x2b: {  	s6 =	sld [smem:$0x3FB2]  }
0x2c: {  	s7 =	sld [smem:$0x3FB3]  }
0x2d: {  	s3 =	simm.s32 $0x108;
	s8 =	sld [smem:$0x3FB4]  }
0x2e: {  	s3 =	simm.s32 @!p0 $0x1082;
	s9 =	sld [smem:$0x3FB5]  }
0x2f: {  	lr =	sadd.s32 s0, s3;
	s0 =	sld [smem:$0x3FAC]  }
0x30: {  	s3 =	sld [smem:$0x3FAF]  }
0x31: {  	[smem:$0x3FB8] =	sst s10  }
0x32: {  	s10 =	sld [smem:$0x3FB6];
	_ =	sdelay $0x3  }
0x33: {  	p0 =	seq.s32 s10, $0x1;
	s10 =	sld [smem:$0x3FB8];
	_ =	sdelay $0x3  }
0x34: {  	[smem:$0x3FB8] =	sst s10  }
0x35: {  	s10 =	sld [smem:$0x3FB7];
	_ =	sdelay $0x3  }
0x36: {  	p1 =	seq.s32 s10, $0x1;
	s10 =	sld [smem:$0x3FB8];
	_ =	sdelay $0x3  }
0x37: {  	[smem:$0x3FB8] =	sst s10  }
0x38: {  	s10 =	sld [smem:$0x3FB9]  }
0x39: {  	_ = 	snop;
	(pc) =	sbr.ind lr, $3  }
0x3a: {  	_ = 	snop  }
0x3b: {  	_ = 	snop  }
0x3c: {  	p2 =	seq.s32 s10, $0x1;
	s10 =	sld [smem:$0x3FB8]  }
0x3d: {  	_ =	shalt  }
0x3e: {  	_ =	shalt  }
0x3f: {  	_ =	shalt  }
0x40: {  	_ =	shalt  }
0x41: {  	_ =	shalt  }
0x42: {  	_ =	shalt  }
0x43: {  	_ =	shalt  }
0x44: {  	_ =	shalt  }
0x45: {  	_ =	shalt  }
0x46: {  	_ =	shalt  }
0x47: {  	_ =	shalt  }
0x48: {  	_ =	shalt  }
0x49: {  	_ =	shalt  }
0x4a: {  	_ =	shalt  }
0x4b: {  	_ =	shalt  }
0x4c: {  	_ =	shalt  }
0x4d: {  	_ =	shalt  }
0x4e: {  	_ =	shalt  }
0x4f: {  	_ =	shalt  }
0x50: {  	_ =	shalt  }
0x51: {  	_ =	shalt  }
0x52: {  	_ =	shalt  }
0x53: {  	_ =	shalt  }
0x54: {  	_ =	shalt  }
0x55: {  	_ =	shalt  }
0x56: {  	_ =	shalt  }
0x57: {  	_ =	shalt  }
0x58: {  	_ =	shalt  }
0x59: {  	_ =	shalt  }
0x5a: {  	_ =	shalt  }
0x5b: {  	_ =	shalt  }
0x5c: {  	_ =	shalt  }
0x5d: {  	_ =	shalt  }
0x5e: {  	_ =	shalt  }
0x5f: {  	_ =	shalt  }
0x60: {  	_ =	shalt  }
0x61: {  	_ =	shalt  }
0x62: {  	_ =	shalt  }
0x63: {  	_ =	shalt  }
0x64: {  	_ =	shalt  }
0x65: {  	_ =	shalt  }
0x66: {  	_ =	shalt  }
0x67: {  	_ =	shalt  }
0x68: {  	_ =	shalt  }
0x69: {  	_ =	shalt  }
0x6a: {  	_ =	shalt  }
0x6b: {  	_ =	shalt  }
0x6c: {  	_ =	shalt  }
0x6d: {  	_ =	shalt  }
0x6e: {  	_ =	shalt  }
0x6f: {  	_ =	shalt  }
0x70: {  	_ =	shalt  }
0x71: {  	_ =	shalt  }
0x72: {  	_ =	shalt  }
0x73: {  	_ =	shalt  }
0x74: {  	_ =	shalt  }
0x75: {  	_ =	shalt  }
0x76: {  	_ =	shalt  }
0x77: {  	_ =	shalt  }
0x78: {  	_ =	shalt  }
0x79: {  	_ =	shalt  }
0x7a: {  	_ =	shalt  }
0x7b: {  	_ =	shalt  }
0x7c: {  	_ =	shalt  }
0x7d: {  	_ =	shalt  }
0x7e: {  	_ =	shalt  }
0x7f: {  	_ =	shalt  }
0x80: {  	_ =	shalt  }
0x81: {  	_ =	shalt  }
0x82: {  	_ =	shalt  }
0x83: {  	_ =	shalt  }
0x84: {  	_ =	shalt  }
0x85: {  	_ =	shalt  }
0x86: {  	_ =	shalt  }
0x87: {  	_ =	shalt  }
.Lfunc_end0:
.L_simem_size_0:
called_computation.2_lowered:
.L_overlay_start_0:
0x88: {  	s2 =	sld [smem:$0x3FD9]  }
0x89: {  	s3 =	sld [smem:$0x3FFE];
	_ =	sdelay $0x1  }
0x8a: {  	s1 =	srdreg.scid  }
0x8b: {  	s0 =	sand.u32 $0x1, s1  }
0x8c: {  	s17 =	sshll.u32 s0, $0xA;
	s2 =	sadd.s32 s3, s2  }
0x8d: {  	s2 =	sadd.s32 s2, s17  }
0x8e: {  	[smem:$0x3FC4] =	sst s2  }
0x8f: {  	_ = 	snop  }
0x90: {  	s2 =	sld [smem:$0x3FD0];
	(tm) =	ssettm $0x1  }
0x91: {  	s18 =	sld [smem:$0x3FFB];
	_ =	sdelay $0x3  }
0x92: {  	_ =	strace s18  }
0x93: {  	s3 =	sld [smem:$0x3FFC];
	_ =	sdelay $0x3  }
0x94: {  	_ =	strace s3  }
0x95: {  	s3 =	sld [smem:$0x3FFD];
	_ =	sdelay $0x3  }
0x96: {  	_ =	strace s3  }
0x97: {  	_ =	strace $0x8FFFFFFF  }
0x98: {  	s19 =	sld [smem:$0x3FDB];
	_ =	sdelay $0x1  }
0x99: {  	s4 =	simm.s32 $_scs_section_size  }
0x9a: {  	s5 =	simm.s32 $_size__tile_overlayer_lowered;
	s6 =	simm.s32 $_tile_overlayer_lowered  }
0x9b: {  	s22 =	simm.s32 $0x1BFF;
	s21 =	sshll.u32 s6, $0x1;
	s3 =	sadd.s32 s4, s19  }
0x9c: {  	s7 =	simm.s32 $0x0;
	s20 =	sshll.u32 s5, $0x1;
	s5 =	sadd.s32 s21, s3  }
0x9d: {  	[timem:s7], [sflag:s22] =	dma.local [hbm:s5], s20  }
0x9e: {  	_ =	swait.ge [sflag:s22], s20  }
0x9f: {  	s4 =	ssub.s32 $0x0, s20;
	[sflag:s22] =	ssyncset.done $0x0  }
0xa0: {  	[sflag:s22] =	ssyncadd.s32 s4;
	_ =	sdelay $0x1  }
0xa1: {  	s23 =	simm.s32 $0x1B8B  }
0xa2: {  	_ =	swait.ge [sflag:s23], $0x1  }
0xa3: {  	[sflag:s23] =	ssyncset.done $0x0  }
0xa4: {  	s25 =	simm.s32 $0x1B8E;
	s24 =	sld [smem:$0x3FFE];
	[sflag:s23] =	ssyncadd.s32 $0xFFFFFFFF  }
0xa5: {  	s26 =	simm.s32 $execute0_lowered;
	[smem:$0x3FD2] =	sst s25  }
0xa6: {  	s5 =	sshll.u32 s26, $0x1;
	_ =	strace $0x8000004C;
	[dreg:$0x1] =	wrdreg $0xFFFFFFFF  }
0xa7: {  	s28 =	simm.s32 $_size_execute0_lowered;
	s3 =	sadd.s32 s3, s5;
	[dreg:$0x0] =	wrdreg $0x0  }
0xa8: {  	s5 =	sshll.u32 s28, $0x1;
	[dreg:$0x2] =	wrdreg s3  }
0xa9: {  	[dreg:$0x3] =	wrdreg s5  }
0xaa: {  	[dreg:$0x4] =	wrdreg $0xC0  }
0xab: {  	_ =	task [dreg:s7], $0x5FFFF  }
0xac: {  	[dreg:$0x1] =	wrdreg $0xFFFFFFFF  }
0xad: {  	[dreg:$0x0] =	wrdreg $0x60  }
0xae: {  	[dreg:$0x2] =	wrdreg s24  }
0xaf: {  	[dreg:$0x3] =	wrdreg s2  }
0xb0: {  	[dreg:$0x4] =	wrdreg $0x67000  }
0xb1: {  	[dreg:$0x5] =	wrdreg $0xDD800  }
0xb2: {  	[dreg:$0x6] =	wrdreg $0x9  }
0xb3: {  	_ =	task.clear_ibuf [dreg:s7], $0x7FFFF;
	_ =	strace $0x9000004C  }
0xb4: {  	s29 =	simm.s32 $0x9;
	_ =	strace $0x8000004E  }
0xb5: {  	_ =	swait.ge [sflag:s29], $0x1  }
0xb6: {  	[sflag:s29] =	ssyncadd.s32 $0xFFFFFFFF  }
0xb7: {  	_ =	strace $0x9000004E  }
0xb8: {  	_ =	sfence  }
0xb9: {  	s30 =	sld [smem:$0x0];
	_ =	sdelay $0x2  }
0xba: {  	s31 =	sshll.u32 s1, $0xD;
	s1 =	sshrl.u32 s1, $0x2  }
0xbb: {  	s3 =	sand.u32 $0x4000, s31;
	s1 =	sadd.s32 s1, s30  }
0xbc: {  	s0 =	sor.u32 s3, s0;
	s1 =	sshll.u32 s1, $0x11  }
0xbd: {  	s0 =	sor.u32 s1, s0  }
0xbe: {  	s0 =	sadd.s32 $0x8F2B, s0  }
0xbf: {  	[sflag:s0] =	ssyncadd.remote.s32 $0x1  }
0xc0: {  	_ =	sfence.sel $0xFFFF  }
0xc1: {  	[dreg:$0x0] =	wrdreg $0xFFFFFFFF;
	(pc) =	sbr.abs _section_cstart, $3  }
0xc2: {  	[dreg:$0x1] =	wrdreg $0xFFFFFFFF  }
0xc3: {  	_ =	task.clear_ibuf [dreg:s7], $0x2FFFF;
	_ =	strace $0x9FFFFFFF  }
0xc4: {  	(tm) =	ssettm $0x7FFFFFFF  }
0xc5: {  	_ =	shalt  }
tec
execute0_lowered:
.L_overlay_start_1:
0x0: {  	(tag) =	ssettag $0x1  }
0x1: {  	s5 =	rddreg [dreg:$0x0]  }
0x2: {  	s9 =	rddreg [dreg:$0x1]  }
0x3: {  	s2 =	rddreg [dreg:$0x2]  }
0x4: {  	s3 =	rddreg [dreg:$0x3]  }
0x5: {  	s0 =	rddreg [dreg:$0x4];
	s1 =	stileid.u32  }
0x6: {  	s6 =	srdreg.scid;
	s4 =	simm.s32 $0x0;
	s17 =	simm.s32 $0x4F00  }
0x7: {  	s18 =	simm.s32 $0x5B00;
	s19 =	simm.s32 $0x1;
	s20 =	simm.s32 $0x2  }
0x8: {  	s21 =	simm.s32 $0x2740;
	s22 =	simm.s32 $0x4E80;
	s23 =	simm.s32 $0x4EC0  }
0x9: {  	s24 =	simm.s32 $0x0;
	s7 =	smul.u32 $0x7680, s1;
	s6 =	sand.u32 $0x1, s6  }
0xa: {  	[smem:$0x7FF] =	sst s4;
	s31 =	sshll.u32 s1, $0x6;
	s8 =	sshll.u32 s6, $0x4  }
0xb: {  	s10 =	smul.u32 $0x76800, s6;
	_ =	strace $0x8000004D;
	s6 =	ssub.s32 $0x2, s6  }
0xc: {  	s8 =	sor.u32 s1, s8;
	s11 =	sshrl.u32 s7, $0x3;
	s30 =	sshrl.u32 s6, $0x1  }
0xd: {  	s15 =	sadd.s32 s7, s2;
	s16 =	sadd.s32 s7, s3;
	s12 =	smul.u32 $0x4F0, s8  }
0xe: {  	s26 =	sadd.s32 s7, s10;
	s28 =	sadd.s32 s11, s5;
	s14 =	ssub.s32 s6, s30  }
0xf: {  	s6 =	sor.u32 $0x1C03, s31;
	s8 =	sshrl.u32 s26, $0x3;
	s7 =	sadd.s32 $0x1600, s28  }
0x10: {  	s11 =	smax.u32 s14, $0x1;
	s14 =	sshrl.u32 s16, $0x3;
	s16 =	simm.s32 $0x40  }
0x11: {  	s29 =	sadd.s32 s12, s5;
	s13 =	sadd.s32 s8, s5;
	s5 =	sadd.s32 $0x6BC00, s28  }
0x12: {  	s9 =	sadd.s32 s9, s12;
	s12 =	sshrl.u32 s15, $0x3;
	s15 =	simm.s32 $0x2780  }
0x13: {  	s8 =	sadd.s32 $0xCE800, s29;
	s10 =	sadd.s32 $0x7AA00, s13;
	s13 =	simm.s32 $0x3  }
.LBB2_1:
0x14: {  	[spmem:s12], [sflag:s6] =	dma.local [hbm:s5], $0xED0  }
0x15: {  	_ =	swait.ge [sflag:s13], $0xED0  }
0x16: {  	[sflag:s13] =	ssyncset.done $0x0  }
0x17: {  	[sflag:s13] =	ssyncadd.s32 $0xFFFFF130  }
0x18: {  	[spmem:s14], [sflag:s6] =	dma.local [hbm:s7], $0xED0  }
0x19: {  	_ =	swait.ge [sflag:s13], $0xED0  }
0x1a: {  	[sflag:s13] =	ssyncset.done $0x0  }
0x1b: {  	[sflag:s13] =	ssyncadd.s32 $0xFFFFF130  }
0x1c: {  	[tilespmem:s4], [sflag:$0x3] =	stream.linear.gather [hbm4b:s8+s4], $0x2780, $0x38;
	[tilespmem:$0x15400] =	vst v63  }
0x1d: {  	_ =	swait.ge [sflag:s13], $0x2780  }
0x1e: {  	[sflag:s13] =	ssyncset.done $0x0  }
0x1f: {  	[sflag:s13] =	ssyncadd.s32 $0xFFFFD880  }
0x20: {  	[tilespmem:s15], [sflag:$0x3] =	stream.linear.gather [hbm4b:s9+s4], $0x2780, $0x38;
	[tilespmem:$0x15400] =	vst v63  }
0x21: {  	_ =	swait.ge [sflag:s13], $0x2780  }
0x22: {  	[sflag:s13] =	ssyncset.done $0x0  }
0x23: {  	[sflag:s13] =	ssyncadd.s32 $0xFFFFD880  }
0x24: {  	[bflag:$0x0] =	sbarrier.arrive $0xFFFF  }
0x25: {  	[tilespmem:s17], [sflag:$0x1] =	stream.indirect.gather [spmem:s3], $0x30, s4, s16, $0xb8;
	[tilespmem:$0x15400] =	vst v63  }
0x26: {  	s25 =	simm.s32 $0x40  }
0x27: {  	[tilespmem:s18], [sflag:$0x2] =	stream.indirect.gather [spmem:s3], $0x30, s25, s16, $0xb8;
	[tilespmem:$0x15400] =	vst v63  }
0x28: {  	_ =	swait.ge [sflag:s19], $0xC00  }
0x29: {  	[sflag:s19] =	ssyncset.done $0x0  }
0x2a: {  	s29 =	simm.s32 $0x2780;
	[sflag:s19] =	ssyncadd.s32 $0xFFFFF400  }
0x2b: {  	[spmem:s2] =	stream.indirect.scatter.add.f32 [tilespmem:s17], [sflag:$0x3], $0x30, s29, s16, $0xb8;
	[tilespmem:$0x15400] =	vst v63  }
0x2c: {  	_ =	swait.ge [sflag:s13], $0xC00  }
0x2d: {  	[sflag:s13] =	ssyncset.done $0x0  }
0x2e: {  	s30 =	simm.s32 $0x80;
	[sflag:s13] =	ssyncadd.s32 $0xFFFFF400  }
0x2f: {  	[tilespmem:s17], [sflag:$0x1] =	stream.indirect.gather [spmem:s3], $0x30, s30, s16, $0xb8;
	[tilespmem:$0x15400] =	vst v63  }
0x30: {  	_ =	swait.ge [sflag:s20], $0xC00  }
0x31: {  	[sflag:s20] =	ssyncset.done $0x0  }
0x32: {  	s31 =	simm.s32 $0x27C0;
	[sflag:s20] =	ssyncadd.s32 $0xFFFFF400  }
0x33: {  	[spmem:s2] =	stream.indirect.scatter.add.f32 [tilespmem:s18], [sflag:$0x3], $0x30, s31, s16, $0xb8;
	[tilespmem:$0x15400] =	vst v63  }
0x34: {  	_ =	swait.ge [sflag:s13], $0xC00  }
0x35: {  	s26 =	simm.s32 $0x400;
	s25 =	simm.s32 $0x80;
	[sflag:s13] =	ssyncset.done $0x0  }
.LBB2_2:
0x36: {  	s28 =	sadd.s32 $0x40, s25  }
0x37: {  	[sflag:s13] =	ssyncadd.s32 $0xFFFFF400;
	s29 =	smov.u32 s26;
	s30 =	sadd.s32 $0x200, s26  }
0x38: {  	[tilespmem:s18], [sflag:$0x2] =	stream.indirect.gather [spmem:s3], $0x30, s28, s16, $0xb8;
	[tilespmem:$0x15400] =	vst v63  }
0x39: {  	p0 =	sne.s32 s26, $0x9A00;
	_ =	swait.ge [sflag:s19], $0xC00  }
0x3a: {  	[sflag:s19] =	ssyncset.done $0x0  }
0x3b: {  	s26 =	sadd.s32 $0x2780, s25;
	[sflag:s19] =	ssyncadd.s32 $0xFFFFF400  }
0x3c: {  	[spmem:s2] =	stream.indirect.scatter.add.f32 [tilespmem:s17], [sflag:$0x3], $0x30, s26, s16, $0xb8;
	[tilespmem:$0x15400] =	vst v63  }
0x3d: {  	_ =	swait.ge [sflag:s13], $0xC00  }
0x3e: {  	[sflag:s13] =	ssyncset.done $0x0  }
0x3f: {  	s26 =	sadd.s32 $0x80, s25;
	[sflag:s13] =	ssyncadd.s32 $0xFFFFF400  }
0x40: {  	[tilespmem:s17], [sflag:$0x1] =	stream.indirect.gather [spmem:s3], $0x30, s26, s16, $0xb8;
	[tilespmem:$0x15400] =	vst v63  }
0x41: {  	_ =	swait.ge [sflag:s20], $0xC00  }
.Ltmp0:
0x42: {  	[sflag:s20] =	ssyncset.done $0x0;
	(pc) =	sbr.rel @p0 .LBB2_2-.Ltmp0, $4  }
0x43: {  	s25 =	sadd.s32 $0x27C0, s25;
	[sflag:s20] =	ssyncadd.s32 $0xFFFFF400  }
0x44: {  	[spmem:s2] =	stream.indirect.scatter.add.f32 [tilespmem:s18], [sflag:$0x3], $0x30, s25, s16, $0xb8;
	[tilespmem:$0x15400] =	vst v63  }
0x45: {  	_ =	swait.ge [sflag:s13], $0xC00  }
0x46: {  	s26 =	smov.u32 s30;
	s25 =	sshra.s32 s29, $0x2;
	[sflag:s13] =	ssyncset.done $0x0  }
0x47: {  	s26 =	sadd.s32 $0x40, s25;
	[sflag:s13] =	ssyncadd.s32 $0xFFFFF400  }
0x48: {  	[tilespmem:s18], [sflag:$0x2] =	stream.indirect.gather [spmem:s3], $0x30, s26, s16, $0xb8;
	[tilespmem:$0x15400] =	vst v63  }
0x49: {  	_ =	swait.ge [sflag:s19], $0xC00  }
0x4a: {  	[sflag:s19] =	ssyncset.done $0x0  }
0x4b: {  	s29 =	sadd.s32 $0x2780, s25;
	[sflag:s19] =	ssyncadd.s32 $0xFFFFF400  }
0x4c: {  	[spmem:s2] =	stream.indirect.scatter.add.f32 [tilespmem:s17], [sflag:$0x3], $0x30, s29, s16, $0xb8;
	[tilespmem:$0x15400] =	vst v63  }
0x4d: {  	_ =	swait.ge [sflag:s13], $0xC00  }
0x4e: {  	[sflag:s13] =	ssyncset.done $0x0  }
0x4f: {  	s30 =	sadd.s32 $0x80, s25;
	[sflag:s13] =	ssyncadd.s32 $0xFFFFF400  }
0x50: {  	[tilespmem:s17], [sflag:$0x1] =	stream.indirect.gather [spmem:s3], $0x30, s30, s16, $0xb8;
	[tilespmem:$0x15400] =	vst v63  }
0x51: {  	_ =	swait.ge [sflag:s20], $0xC00  }
0x52: {  	[sflag:s20] =	ssyncset.done $0x0  }
0x53: {  	s31 =	sadd.s32 $0x27C0, s25;
	[sflag:s20] =	ssyncadd.s32 $0xFFFFF400  }
0x54: {  	[spmem:s2] =	stream.indirect.scatter.add.f32 [tilespmem:s18], [sflag:$0x3], $0x30, s31, s16, $0xb8;
	[tilespmem:$0x15400] =	vst v63  }
0x55: {  	_ =	swait.ge [sflag:s13], $0xC00  }
0x56: {  	[sflag:s13] =	ssyncset.done $0x0  }
0x57: {  	[sflag:s13] =	ssyncadd.s32 $0xFFFFF400  }
0x58: {  	[tilespmem:s18], [sflag:$0x2] =	stream.indirect.gather [spmem:s3], $0x30, s21, s16, $0xb8;
	[tilespmem:$0x15400] =	vst v63  }
0x59: {  	_ =	swait.ge [sflag:s19], $0xC00  }
0x5a: {  	[sflag:s19] =	ssyncset.done $0x0  }
0x5b: {  	[sflag:s19] =	ssyncadd.s32 $0xFFFFF400  }
0x5c: {  	[spmem:s2] =	stream.indirect.scatter.add.f32 [tilespmem:s17], [sflag:$0x3], $0x30, s22, s16, $0xb8;
	[tilespmem:$0x15400] =	vst v63  }
0x5d: {  	_ =	swait.ge [sflag:s13], $0xC00  }
0x5e: {  	[sflag:s13] =	ssyncset.done $0x0  }
0x5f: {  	[sflag:s13] =	ssyncadd.s32 $0xFFFFF400  }
0x60: {  	_ =	swait.ge [sflag:s20], $0xC00  }
0x61: {  	[sflag:s20] =	ssyncset.done $0x0  }
0x62: {  	[sflag:s20] =	ssyncadd.s32 $0xFFFFF400  }
0x63: {  	[spmem:s2] =	stream.indirect.scatter.add.f32 [tilespmem:s18], [sflag:$0x3], $0x30, s23, s16, $0xb8;
	[tilespmem:$0x15400] =	vst v63  }
0x64: {  	_ =	swait.ge [sflag:s13], $0xC00  }
0x65: {  	s24 =	sadd.s32 $0x1, s24;
	[sflag:s13] =	ssyncset.done $0x0  }
0x66: {  	p0 =	sne.s32 s24, s11;
	[sflag:s13] =	ssyncadd.s32 $0xFFFFF400  }
.Ltmp1:
0x67: {  	[bflag:$0x0] =	sbarrier.arrive $0xFFFF;
	(pc) =	sbr.rel @p0 .LBB2_1-.Ltmp1, $4  }
0x68: {  	[hbm:s10], [sflag:s6] =	dma.local [spmem:s12], $0xED0  }
0x69: {  	_ =	swait.ge [sflag:s13], $0xED0  }
0x6a: {  	[sflag:s13] =	ssyncset.done $0x0  }
0x6b: {  	[sflag:s13] =	ssyncadd.s32 $0xFFFFF130  }
0x6c: {  	_ =	sfence.sel $0x180000  }
0x6d: {  	[bflag:$0x0] =	sbarrier.arrive $0xFFFF  }
0x6e: {  	p0 =	sne.s32 s1, $0x0;
	_ =	strace $0x9000004D  }
0x6f: {  	s0 =	sadd.s32 @!p0 $0x100000, s0;
	[bflag:$0x2] =	sbarrier.arrive $0xFFFF  }
0x70: {  	[sflag:s0] =	ssyncadd.tile.s32 @!p0 $0x1;
	_ =	shalt  }
.Lfunc_end2:
_tile_overlayer_lowered:
.L_overlay_start_2:
0x71: {  	(tag) =	ssettag $0x2  }
0x72: {  	s0 =	rddreg [dreg:$0x0];
	s2 =	stileid.u32  }
0x73: {  	s1 =	rddreg [dreg:$0x1];
	p0 =	sne.s32 s2, $0x0  }
0x74: {  	s3 =	rddreg [dreg:$0x2];
	[bflag:$0x3] =	sbarrier.arrive $0xFFFF;
	s2 =	simm.s32 @!p0 $0x1C03  }
0x75: {  	[timem:s3], [sflag:s2] =	dma.local @!p0 [hbm:s0], s1  }
0x76: {  	s0 =	simm.s32 @!p0 $0x3  }
0x77: {  	_ =	swait.ge @!p0 [sflag:s0], s1  }
0x78: {  	s1 =	ssub.s32 @!p0 $0x0, s1;
	[sflag:s0] =	ssyncset.done @!p0 $0x0  }
0x79: {  	[sflag:s0] =	ssyncadd.s32 @!p0 s1  }
0x7a: {  	[bflag:$0x3] =	sbarrier.arrive $0xFFFF  }
0x7b: {  	_ =	shalt  }

// kernel: kernel.9.cloned.1.call-start
scs
__scs_entry_jumppad:
0x0: {  	(pc) =	sbr.rel $0x88, $3  }
0x1: {  	(tag) =	ssettag $0x0;
	lr =	simm.s32 $0x1  }
0x2: {  	[smem:$0x3F9D] =	sst lr;
	_ =	strace $0xD0000000  }
0x3: {  	_ = 	snop  }
0x4: {  	_ = 	snop  }
0x5: {  	_ = 	snop  }
0x6: {  	_ = 	snop  }
0x7: {  	_ = 	snop  }
__scs_overlays_trampoline_lowered:
0x8: {  	[smem:$0x3FAC] =	sst s0  }
0x9: {  	[smem:$0x3FAD] =	sst s1  }
0xa: {  	[smem:$0x3FAE] =	sst s2  }
0xb: {  	[smem:$0x3FAF] =	sst s3  }
0xc: {  	[smem:$0x3FB0] =	sst s4  }
0xd: {  	[smem:$0x3FB1] =	sst s5  }
0xe: {  	[smem:$0x3FB2] =	sst s6  }
0xf: {  	[smem:$0x3FB3] =	sst s7  }
0x10: {  	[smem:$0x3FB4] =	sst s8  }
0x11: {  	[smem:$0x3FB5] =	sst s9;
	s0 =	simm.s32 @!p0 $0x0  }
0x12: {  	s1 =	sld [smem:$0x3F9B];
	s0 =	simm.s32 @p0 $0x1  }
0x13: {  	[smem:$0x3FB6] =	sst s0;
	s0 =	simm.s32 @!p1 $0x0  }
0x14: {  	s2 =	sld [smem:$0x3F9A];
	s0 =	simm.s32 @p1 $0x1  }
0x15: {  	[smem:$0x3FB7] =	sst s0;
	s0 =	simm.s32 @!p2 $0x0  }
0x16: {  	s3 =	sld [smem:$0x3FDB];
	s0 =	simm.s32 @p2 $0x1  }
0x17: {  	s4 =	simm.s32 $0x1BF5;
	[smem:$0x3FB9] =	sst s0  }
0x18: {  	s0 =	sld [smem:$0x3F9C];
	_ =	swait.ge [sflag:s4], $0x0  }
0x19: {  	s7 =	sld [smem:$0x3F9D]  }
0x1a: {  	s8 =	sadd.s32 $0xFFFFE003, lr  }
0x1b: {  	s9 =	sadd.s32 $0xFFFFFEF7, lr;
	s5 =	simm.s32 $0xFFFFFFFF;
	p2 =	slt.u32 s8, $0xFFFFF086  }
0x1c: {  	p1 =	slt.u32 s9, $0xF7A;
	s5 =	simm.s32 @!p2 $0x0  }
0x1d: {  	s5 =	simm.s32 @p1 $0x1;
	p0 =	seq.s32 s7, s2  }
0x1e: {  	s7 =	smul.u32 @!p0 $0xF7A, s2;
	p2 =	seq.s32 @!p0 s5, $0x0  }
0x1f: {  	s9 =	smul.u32 $0xF7A, s1;
	s8 =	simm.s32 @!p0 $0x1BF5;
	p2 =	por !p2, p0  }
0x20: {  	[sflag:s8] =	ssyncset.s32 @!p0 $0xFFFFF086;
	s6 =	sadd.s32 @!p0 s3, s7;
	s7 =	simm.s32 @!p0 $0x108  }
0x21: {  	s3 =	sadd.s32 s3, s9;
	s6 =	sadd.s32 @!p0 $0x88, s6;
	s7 =	simm.s32 @p2 $0x1082  }
0x22: {  	[simem:s7], [sflag:s8] =	dma.local @!p0 [hbm:s6], $0xF7A  }
0x23: {  	s9 =	sor.u32 $0xD0000000, s2;
	s6 =	simm.s32 $0x108;
	_ =	swait.ge @!p0 [sflag:s8], $0x0  }
0x24: {  	s3 =	sadd.s32 $0x88, s3;
	s6 =	simm.s32 @!p1 $0x1082;
	[sflag:s4] =	ssyncset.s32 $0xFFFFF086  }
0x25: {  	[simem:s6], [sflag:s4] =	dma.local [hbm:s3], $0xF7A  }
0x26: {  	[smem:$0x3F9D] =	sst s1;
	(tag) =	ssettag s2;
	_ =	strace s9  }
0x27: {  	s1 =	sld [smem:$0x3FAD]  }
0x28: {  	s2 =	sld [smem:$0x3FAE]  }
0x29: {  	s4 =	sld [smem:$0x3FB0]  }
0x2a: {  	p0 =	seq.s32 s5, $0x0;
	s5 =	sld [smem:$0x3FB1]  }
0x2b: {  	s6 =	sld [smem:$0x3FB2]  }
0x2c: {  	s7 =	sld [smem:$0x3FB3]  }
0x2d: {  	s3 =	simm.s32 $0x108;
	s8 =	sld [smem:$0x3FB4]  }
0x2e: {  	s3 =	simm.s32 @!p0 $0x1082;
	s9 =	sld [smem:$0x3FB5]  }
0x2f: {  	lr =	sadd.s32 s0, s3;
	s0 =	sld [smem:$0x3FAC]  }
0x30: {  	s3 =	sld [smem:$0x3FAF]  }
0x31: {  	[smem:$0x3FB8] =	sst s10  }
0x32: {  	s10 =	sld [smem:$0x3FB6];
	_ =	sdelay $0x3  }
0x33: {  	p0 =	seq.s32 s10, $0x1;
	s10 =	sld [smem:$0x3FB8];
	_ =	sdelay $0x3  }
0x34: {  	[smem:$0x3FB8] =	sst s10  }
0x35: {  	s10 =	sld [smem:$0x3FB7];
	_ =	sdelay $0x3  }
0x36: {  	p1 =	seq.s32 s10, $0x1;
	s10 =	sld [smem:$0x3FB8];
	_ =	sdelay $0x3  }
0x37: {  	[smem:$0x3FB8] =	sst s10  }
0x38: {  	s10 =	sld [smem:$0x3FB9]  }
0x39: {  	_ = 	snop;
	(pc) =	sbr.ind lr, $3  }
0x3a: {  	_ = 	snop  }
0x3b: {  	_ = 	snop  }
0x3c: {  	p2 =	seq.s32 s10, $0x1;
	s10 =	sld [smem:$0x3FB8]  }
0x3d: {  	_ =	shalt  }
0x3e: {  	_ =	shalt  }
0x3f: {  	_ =	shalt  }
0x40: {  	_ =	shalt  }
0x41: {  	_ =	shalt  }
0x42: {  	_ =	shalt  }
0x43: {  	_ =	shalt  }
0x44: {  	_ =	shalt  }
0x45: {  	_ =	shalt  }
0x46: {  	_ =	shalt  }
0x47: {  	_ =	shalt  }
0x48: {  	_ =	shalt  }
0x49: {  	_ =	shalt  }
0x4a: {  	_ =	shalt  }
0x4b: {  	_ =	shalt  }
0x4c: {  	_ =	shalt  }
0x4d: {  	_ =	shalt  }
0x4e: {  	_ =	shalt  }
0x4f: {  	_ =	shalt  }
0x50: {  	_ =	shalt  }
0x51: {  	_ =	shalt  }
0x52: {  	_ =	shalt  }
0x53: {  	_ =	shalt  }
0x54: {  	_ =	shalt  }
0x55: {  	_ =	shalt  }
0x56: {  	_ =	shalt  }
0x57: {  	_ =	shalt  }
0x58: {  	_ =	shalt  }
0x59: {  	_ =	shalt  }
0x5a: {  	_ =	shalt  }
0x5b: {  	_ =	shalt  }
0x5c: {  	_ =	shalt  }
0x5d: {  	_ =	shalt  }
0x5e: {  	_ =	shalt  }
0x5f: {  	_ =	shalt  }
0x60: {  	_ =	shalt  }
0x61: {  	_ =	shalt  }
0x62: {  	_ =	shalt  }
0x63: {  	_ =	shalt  }
0x64: {  	_ =	shalt  }
0x65: {  	_ =	shalt  }
0x66: {  	_ =	shalt  }
0x67: {  	_ =	shalt  }
0x68: {  	_ =	shalt  }
0x69: {  	_ =	shalt  }
0x6a: {  	_ =	shalt  }
0x6b: {  	_ =	shalt  }
0x6c: {  	_ =	shalt  }
0x6d: {  	_ =	shalt  }
0x6e: {  	_ =	shalt  }
0x6f: {  	_ =	shalt  }
0x70: {  	_ =	shalt  }
0x71: {  	_ =	shalt  }
0x72: {  	_ =	shalt  }
0x73: {  	_ =	shalt  }
0x74: {  	_ =	shalt  }
0x75: {  	_ =	shalt  }
0x76: {  	_ =	shalt  }
0x77: {  	_ =	shalt  }
0x78: {  	_ =	shalt  }
0x79: {  	_ =	shalt  }
0x7a: {  	_ =	shalt  }
0x7b: {  	_ =	shalt  }
0x7c: {  	_ =	shalt  }
0x7d: {  	_ =	shalt  }
0x7e: {  	_ =	shalt  }
0x7f: {  	_ =	shalt  }
0x80: {  	_ =	shalt  }
0x81: {  	_ =	shalt  }
0x82: {  	_ =	shalt  }
0x83: {  	_ =	shalt  }
0x84: {  	_ =	shalt  }
0x85: {  	_ =	shalt  }
0x86: {  	_ =	shalt  }
0x87: {  	_ =	shalt  }
.Lfunc_end0:
.L_simem_size_0:
called_computation_lowered:
.L_overlay_start_0:
0x88: {  	s2 =	sld [smem:$0x3FD9]  }
0x89: {  	s3 =	sld [smem:$0x3FFE];
	_ =	sdelay $0x1  }
0x8a: {  	s1 =	srdreg.scid  }
0x8b: {  	s0 =	sand.u32 $0x1, s1  }
0x8c: {  	s17 =	sshll.u32 s0, $0xA;
	s2 =	sadd.s32 s3, s2  }
0x8d: {  	s2 =	sadd.s32 s2, s17  }
0x8e: {  	[smem:$0x3FC4] =	sst s2  }
0x8f: {  	_ = 	snop  }
0x90: {  	s2 =	sld [smem:$0x3FD0];
	(tm) =	ssettm $0x1  }
0x91: {  	s18 =	sld [smem:$0x3FFB];
	_ =	sdelay $0x3  }
0x92: {  	_ =	strace s18  }
0x93: {  	s3 =	sld [smem:$0x3FFC];
	_ =	sdelay $0x3  }
0x94: {  	_ =	strace s3  }
0x95: {  	s3 =	sld [smem:$0x3FFD];
	_ =	sdelay $0x3  }
0x96: {  	_ =	strace s3  }
0x97: {  	_ =	strace $0x8FFFFFFF  }
0x98: {  	s19 =	sld [smem:$0x3FDB];
	_ =	sdelay $0x1  }
0x99: {  	s4 =	simm.s32 $_scs_section_size  }
0x9a: {  	s5 =	simm.s32 $_size__tile_overlayer_lowered;
	s6 =	simm.s32 $_tile_overlayer_lowered  }
0x9b: {  	s22 =	simm.s32 $0x1BFF;
	s21 =	sshll.u32 s6, $0x1;
	s3 =	sadd.s32 s4, s19  }
0x9c: {  	s7 =	simm.s32 $0x0;
	s20 =	sshll.u32 s5, $0x1;
	s5 =	sadd.s32 s21, s3  }
0x9d: {  	[timem:s7], [sflag:s22] =	dma.local [hbm:s5], s20  }
0x9e: {  	_ =	swait.ge [sflag:s22], s20  }
0x9f: {  	s4 =	ssub.s32 $0x0, s20;
	[sflag:s22] =	ssyncset.done $0x0  }
0xa0: {  	[sflag:s22] =	ssyncadd.s32 s4;
	_ =	sdelay $0x1  }
0xa1: {  	s23 =	simm.s32 $0x1B8B  }
0xa2: {  	_ =	swait.ge [sflag:s23], $0x1  }
0xa3: {  	[sflag:s23] =	ssyncset.done $0x0  }
0xa4: {  	s25 =	simm.s32 $0x1B8E;
	s24 =	sld [smem:$0x3FFE];
	[sflag:s23] =	ssyncadd.s32 $0xFFFFFFFF  }
0xa5: {  	s26 =	simm.s32 $execute0_lowered;
	[smem:$0x3FD2] =	sst s25  }
0xa6: {  	s5 =	sshll.u32 s26, $0x1;
	_ =	strace $0x80000046;
	[dreg:$0x1] =	wrdreg $0xFFFFFFFF  }
0xa7: {  	s28 =	simm.s32 $_size_execute0_lowered;
	s3 =	sadd.s32 s3, s5;
	[dreg:$0x0] =	wrdreg $0x0  }
0xa8: {  	s5 =	sshll.u32 s28, $0x1;
	[dreg:$0x2] =	wrdreg s3  }
0xa9: {  	[dreg:$0x3] =	wrdreg s5  }
0xaa: {  	[dreg:$0x4] =	wrdreg $0xC0  }
0xab: {  	_ =	task [dreg:s7], $0x5FFFF  }
0xac: {  	[dreg:$0x1] =	wrdreg $0xFFFFFFFF  }
0xad: {  	[dreg:$0x0] =	wrdreg $0x60  }
0xae: {  	[dreg:$0x2] =	wrdreg s24  }
0xaf: {  	[dreg:$0x3] =	wrdreg s2  }
0xb0: {  	[dreg:$0x4] =	wrdreg $0x2B800  }
0xb1: {  	[dreg:$0x5] =	wrdreg $0x9  }
0xb2: {  	_ =	task.clear_ibuf [dreg:s7], $0x6FFFF;
	_ =	strace $0x90000046  }
0xb3: {  	s29 =	simm.s32 $0x9;
	_ =	strace $0x80000048  }
0xb4: {  	_ =	swait.ge [sflag:s29], $0x1  }
0xb5: {  	[sflag:s29] =	ssyncadd.s32 $0xFFFFFFFF  }
0xb6: {  	_ =	strace $0x90000048  }
0xb7: {  	_ =	sfence  }
0xb8: {  	s30 =	sld [smem:$0x0];
	_ =	sdelay $0x2  }
0xb9: {  	s31 =	sshll.u32 s1, $0xD;
	s1 =	sshrl.u32 s1, $0x2  }
0xba: {  	s3 =	sand.u32 $0x4000, s31;
	s1 =	sadd.s32 s1, s30  }
0xbb: {  	s0 =	sor.u32 s3, s0;
	s1 =	sshll.u32 s1, $0x11  }
0xbc: {  	s0 =	sor.u32 s1, s0  }
0xbd: {  	s0 =	sadd.s32 $0x8F2B, s0  }
0xbe: {  	[sflag:s0] =	ssyncadd.remote.s32 $0x1  }
0xbf: {  	_ =	sfence.sel $0xFFFF  }
0xc0: {  	[dreg:$0x0] =	wrdreg $0xFFFFFFFF;
	(pc) =	sbr.abs _section_cstart, $3  }
0xc1: {  	[dreg:$0x1] =	wrdreg $0xFFFFFFFF  }
0xc2: {  	_ =	task.clear_ibuf [dreg:s7], $0x2FFFF;
	_ =	strace $0x9FFFFFFF  }
0xc3: {  	(tm) =	ssettm $0x7FFFFFFF  }
tec
execute0_lowered:
.L_overlay_start_1:
0x0: {  	(tag) =	ssettag $0x1  }
0x1: {  	s5 =	rddreg [dreg:$0x0]  }
0x2: {  	s7 =	rddreg [dreg:$0x1]  }
0x3: {  	s2 =	rddreg [dreg:$0x2];
	s0 =	stileid.u32  }
0x4: {  	s4 =	srdreg.scid;
	s1 =	rddreg [dreg:$0x3]  }
0x5: {  	s3 =	simm.s32 $0x0;
	s13 =	simm.s32 $0x80;
	s14 =	simm.s32 $0x0  }
0x6: {  	s6 =	smul.u32 $0x13C0, s0;
	s8 =	sand.u32 $0x1, s4;
	[smem:$0x7FF] =	sst s3  }
0x7: {  	s4 =	sadd.s32 $0x3E00, s5;
	s31 =	sshll.u32 s0, $0x6;
	s10 =	smul.u32 $0x13C00, s8  }
0x8: {  	_ =	strace $0x80000047;
	s11 =	ssub.s32 $0x2, s8;
	s8 =	sshll.u32 s8, $0x4  }
0x9: {  	s9 =	sshrl.u32 s6, $0x3;
	s12 =	sshrl.u32 s11, $0x1;
	s8 =	sor.u32 s0, s8  }
0xa: {  	s30 =	sadd.s32 s6, s2;
	s9 =	sadd.s32 s9, s5;
	s10 =	sadd.s32 s6, s10  }
0xb: {  	s11 =	ssub.s32 s11, s12;
	s8 =	smul.u32 $0x4F0, s8;
	s10 =	sshrl.u32 s10, $0x3  }
0xc: {  	s6 =	sor.u32 $0x1C01, s31;
	s12 =	simm.s32 $0x2780;
	s10 =	sadd.s32 s10, s5  }
0xd: {  	s5 =	sadd.s32 $0x1600, s9;
	s7 =	sadd.s32 s7, s8;
	s9 =	smax.u32 s11, $0x1  }
0xe: {  	s11 =	simm.s32 $0x1;
	s8 =	sadd.s32 $0x4000, s10;
	s10 =	sshrl.u32 s30, $0x3  }
.LBB2_1:
0xf: {  	[spmem:s10], [sflag:s6] =	dma.local [hbm:s5], $0x278  }
0x10: {  	_ =	swait.ge [sflag:s11], $0x278  }
0x11: {  	[sflag:s11] =	ssyncset.done $0x0  }
0x12: {  	[sflag:s11] =	ssyncadd.s32 $0xFFFFFD88  }
0x13: {  	[tilespmem:s3], [sflag:$0x1] =	stream.linear.gather [hbm4b:s7+s3], $0x2780, $0x38;
	[tilespmem:$0x3F40] =	vst v63  }
0x14: {  	_ =	swait.ge [sflag:s11], $0x2780  }
0x15: {  	[sflag:s11] =	ssyncset.done $0x0  }
0x16: {  	[sflag:s11] =	ssyncadd.s32 $0xFFFFD880  }
0x17: {  	[tilespmem:s12], [sflag:$0x1] =	stream.linear.gather [hbm4b:s4+s3], $0x400, $0x38;
	[tilespmem:$0x3F40] =	vst v63  }
0x18: {  	_ =	swait.ge [sflag:s11], $0x400  }
0x19: {  	[sflag:s11] =	ssyncset.done $0x0  }
0x1a: {  	[sflag:s11] =	ssyncadd.s32 $0xFFFFFC00  }
0x1b: {  	s15 =	simm.s32 $0x0;
	[bflag:$0x0] =	sbarrier.arrive $0xFFFF  }
0x1c: {  	[spmem:s2] =	stream.indirect.scatter.add.f32 [tilespmem:s12], [sflag:$0x1], $0x8, s15, s13, $0xb8;
	[tilespmem:$0x3F40] =	vst v63  }
0x1d: {  	_ =	swait.ge [sflag:s11], $0x400  }
0x1e: {  	s15 =	simm.s32 $0x200;
	[sflag:s11] =	ssyncset.done $0x0  }
.LBB2_2:
0x1f: {  	s16 =	sshra.s32 s15, $0x2;
	[sflag:s11] =	ssyncadd.s32 $0xFFFFFC00;
	p0 =	sne.s32 s15, $0x9C00  }
0x20: {  	[spmem:s2] =	stream.indirect.scatter.add.f32 [tilespmem:s12], [sflag:$0x1], $0x8, s16, s13, $0xb8;
	[tilespmem:$0x3F40] =	vst v63  }
.Ltmp0:
0x21: {  	_ = 	snop;
	(pc) =	sbr.rel @p0 .LBB2_2-.Ltmp0, $4  }
0x22: {  	_ = 	snop  }
0x23: {  	s15 =	sadd.s32 $0x200, s15  }
0x24: {  	_ =	swait.ge [sflag:s11], $0x400  }
0x25: {  	[sflag:s11] =	ssyncset.done $0x0  }
0x26: {  	s14 =	sadd.s32 $0x1, s14  }
0x27: {  	[sflag:s11] =	ssyncadd.s32 $0xFFFFFC00;
	p0 =	sne.s32 s14, s9  }
.Ltmp1:
0x28: {  	[bflag:$0x0] =	sbarrier.arrive $0xFFFF;
	(pc) =	sbr.rel @p0 .LBB2_1-.Ltmp1, $4  }
0x29: {  	[hbm:s8], [sflag:s6] =	dma.local [spmem:s10], $0x278  }
0x2a: {  	_ =	swait.ge [sflag:s11], $0x278  }
0x2b: {  	[sflag:s11] =	ssyncset.done $0x0  }
0x2c: {  	[sflag:s11] =	ssyncadd.s32 $0xFFFFFD88  }
0x2d: {  	_ =	sfence.sel $0x180000  }
0x2e: {  	[bflag:$0x0] =	sbarrier.arrive $0xFFFF  }
0x2f: {  	p0 =	sne.s32 s0, $0x0;
	_ =	strace $0x90000047  }
0x30: {  	s0 =	sadd.s32 @!p0 $0x100000, s1;
	[bflag:$0x2] =	sbarrier.arrive $0xFFFF  }
0x31: {  	[sflag:s0] =	ssyncadd.tile.s32 @!p0 $0x1;
	_ =	shalt  }
.Lfunc_end2:
_tile_overlayer_lowered:
.L_overlay_start_2:
0x32: {  	(tag) =	ssettag $0x2  }
0x33: {  	s0 =	rddreg [dreg:$0x0];
	s2 =	stileid.u32  }
0x34: {  	s1 =	rddreg [dreg:$0x1];
	p0 =	sne.s32 s2, $0x0  }
0x35: {  	s3 =	rddreg [dreg:$0x2];
	[bflag:$0x3] =	sbarrier.arrive $0xFFFF;
	s2 =	simm.s32 @!p0 $0x1C01  }
0x36: {  	[timem:s3], [sflag:s2] =	dma.local @!p0 [hbm:s0], s1  }
0x37: {  	s0 =	simm.s32 @!p0 $0x1  }
0x38: {  	_ =	swait.ge @!p0 [sflag:s0], s1  }
0x39: {  	s1 =	ssub.s32 @!p0 $0x0, s1;
	[sflag:s0] =	ssyncset.done @!p0 $0x0  }
0x3a: {  	[sflag:s0] =	ssyncadd.s32 @!p0 s1  }
0x3b: {  	[bflag:$0x3] =	sbarrier.arrive $0xFFFF  }
0x3c: {  	_ =	shalt  }

</sc_bundles>
